<compile_context>
chip_gen: v7x
topology: tpu7x:2x2x1
jax: 0.10.2.dev20260603
libtpu: 0.0.44.dev20260713+nightly
codegen_flags: <defaults>
</compile_context>

<pallas_src>
import dataclasses
import functools

import jax
import jax.numpy as jnp
from jax import lax
from jax.experimental import pallas as pl
from jax.experimental.pallas import tpu as pltpu
from jax.experimental.pallas import tpu_sc as plsc

HT_BINS = 128 * 128
SPHERE = 32768
NUM_VOTES = 524288
CHANNELS = 64

NUM_CORES = 2
NUM_SUBCORES = 16
NUM_TILES = NUM_CORES * NUM_SUBCORES
CPT = CHANNELS // NUM_TILES
LANES = 16

CHUNK = 4096
NCHUNK = NUM_VOTES // CHUNK
NBUF = 4
assert NCHUNK % NBUF == 0


def _compiler_params():
    cp = pltpu.CompilerParams()
    if "needs_layout_passes" in pltpu.CompilerParams.__dataclass_fields__:
        cp = dataclasses.replace(cp, needs_layout_passes=False)
    return cp


def _sphere_votes(x_pack, votes_packed):
    mesh = plsc.VectorSubcoreMesh(
        core_axis_name="core", subcore_axis_name="subcore"
    )

    @functools.partial(
        pl.kernel,
        out_type=jax.ShapeDtypeStruct((CHANNELS * SPHERE,), jnp.float32),
        mesh=mesh,
        scratch_types=[
            pltpu.VMEM((HT_BINS,), jnp.int32),
            pltpu.VMEM((CPT * SPHERE,), jnp.float32),
            pltpu.VMEM((NBUF, 2, CHUNK), jnp.int32),
            pltpu.SemaphoreType.DMA((NBUF + 1,)),
        ],
        compiler_params=_compiler_params(),
    )
    def run(x_hbm, votes_hbm, out_hbm, x_v, acc_v, v_v, sem):
        cid = lax.axis_index("core")
        sid = lax.axis_index("subcore")
        wid = sid * NUM_CORES + cid
        c0 = wid * CPT

        x_copy = pltpu.async_copy(
            x_hbm.at[pl.ds(wid * HT_BINS, HT_BINS)], x_v, sem.at[NBUF]
        )
        for s in range(NBUF - 1):
            pltpu.async_copy(votes_hbm.at[s], v_v.at[s], sem.at[s])

        zero = jnp.zeros((LANES,), jnp.float32)

        @plsc.parallel_loop(0, CPT * SPHERE // LANES, unroll=8)
        def _(j):
            acc_v[pl.ds(j * LANES, LANES)] = zero

        x_copy.wait()

        ht_mask = jnp.full((LANES,), HT_BINS - 1, jnp.int32)

        def process(b):
            @plsc.parallel_loop(0, CHUNK // LANES, unroll=8)
            def _(j):
                off = j * LANES
                iv = v_v[b, 0, pl.ds(off, LANES)]
                ht16 = iv & ht_mask
                sph16 = lax.shift_right_logical(iv, 14)
                w16 = plsc.bitcast(v_v[b, 1, pl.ds(off, LANES)], jnp.float32)
                gp = plsc.load_gather(x_v, [ht16])
                g0, g1 = plsc.unpack(
                    plsc.bitcast(gp, jnp.bfloat16),
                    format=plsc.PackFormat.INTERLEAVED,
                )
                plsc.addupdate_scatter(acc_v, [sph16], g0 * w16)
                plsc.addupdate_scatter(acc_v, [sph16 + SPHERE], g1 * w16)

        @pl.loop(0, NCHUNK, step=NBUF)
        def _(k):
            for b in range(NBUF):
                cur = k + b
                pre = cur + (NBUF - 1)
                ps = (b + NBUF - 1) % NBUF

                @pl.when(pre < NCHUNK)
                def _():
                    pltpu.async_copy(
                        votes_hbm.at[pre], v_v.at[ps], sem.at[ps]
                    )

                pltpu.make_async_copy(
                    votes_hbm.at[cur], v_v.at[b], sem.at[b]
                ).wait()
                process(b)

        pltpu.sync_copy(acc_v, out_hbm.at[pl.ds(c0 * SPHERE, CPT * SPHERE)])

    return run(x_pack, votes_packed)


def kernel(x, vote_ht, vote_sphere, vote_weight):
    batch, channel, h, w = x.shape
    xb = x.reshape(NUM_TILES, CPT, h * w).astype(jnp.bfloat16)
    xu = lax.bitcast_convert_type(xb, jnp.uint16).astype(jnp.uint32)
    x_pack = lax.bitcast_convert_type(
        xu[:, 0] | (xu[:, 1] << 16), jnp.int32
    ).reshape(NUM_TILES * HT_BINS)
    idx_pack = (vote_sphere << 14) | vote_ht
    votes_packed = jnp.stack(
        [
            idx_pack.reshape(NCHUNK, CHUNK),
            lax.bitcast_convert_type(vote_weight, jnp.int32).reshape(
                NCHUNK, CHUNK
            ),
        ],
        axis=1,
    )
    out = _sphere_votes(x_pack, votes_packed)
    return out.reshape(batch, channel, SPHERE)

# --- scband reference (transcript-rebuilt; emitter-appended) ---
"""Pipeline reference for scband-sphere-cuda-77163382440039 (READ-ONLY COPY).

The authoritative reference and input builder live on the scoring server;
editing this copy changes nothing except your own understanding.
"""

import jax, jax.numpy as jnp
import numpy as np

HT_H, HT_W = 128, 128
SPHERE_SIZE = 32768
NUM_VOTES = 524288

def setup_inputs(seed: int = 0) -> dict:
    key = jax.random.key(seed)
    k1, k2, k3, k4 = jax.random.split(key, 4)
    x = jax.random.normal(k1, (1, 64, HT_H, HT_W), dtype=jnp.float32)
    # vote_mapping[:, 0] -> flat HT bin index, must be < HT_H * HT_W
    vote_ht = jax.random.randint(k2, (NUM_VOTES,), 0, HT_H * HT_W, dtype=jnp.int32)
    # vote_mapping[:, 1] -> sphere cell index, must be < SPHERE_SIZE
    vote_sphere = jax.random.randint(k3, (NUM_VOTES,), 0, SPHERE_SIZE, dtype=jnp.int32)
    # vote_mapping[:, 2] -> vote weight (float)
    vote_weight = jax.random.uniform(k4, (NUM_VOTES,), dtype=jnp.float32)
    return {"x": x, "vote_ht": vote_ht, "vote_sphere": vote_sphere, "vote_weight": vote_weight}

def reference(x, vote_ht, vote_sphere, vote_weight):
    # Faithful translation of SPHERE_CUDA.forward + HT2SPHERE CUDA kernel:
    # out[b, c, sphere_idx] += x_flat[b, c, ht_idx] * weight for each vote triplet.
    batch, channel, h, w = x.shape
    assert channel % 4 == 0
    xg = x.reshape(batch * 4, channel // 4, h * w)
    # gather HT bin activations for every vote: [B*4, C//4, V]
    gathered = jnp.take(xg, vote_ht, axis=2) * vote_weight[None, None, :]
    # scatter-add into sphere cells
    out = jnp.zeros((batch * 4, channel // 4, SPHERE_SIZE), dtype=x.dtype)
    out = out.at[:, :, vote_sphere].add(gathered)
    out = out.reshape(batch, channel, SPHERE_SIZE)
    return out

if __name__ == "__main__":
    import jax
    _d = setup_inputs()
    print(jax.jit(kernel)(*tuple(_d.values())))

</pallas_src>

<mosaic_0001>
#map = affine_map<(d0, d1) -> (0)>
#map1 = affine_map<(d0, d1) -> (0, 0, 0)>
module attributes {stable_mosaic.version = 14 : i64} {
  func.func @run(%arg0: i32, %arg1: i32, %arg2: memref<524288xi32, #tpu.memory_space<hbm>>, %arg3: memref<128x2x4096xi32, #tpu.memory_space<hbm>>, %arg4: memref<2097152xf32, #tpu.memory_space<hbm>>, %arg5: memref<16384xi32, #tpu.memory_space<vmem>>, %arg6: memref<65536xf32, #tpu.memory_space<vmem>>, %arg7: memref<4x2x4096xi32, #tpu.memory_space<vmem>>, %arg8: memref<5x!tpu.dma_semaphore, #tpu.memory_space<semaphore_mem>>) attributes {dimension_semantics = [#tpu.dimension_semantics<core_parallel>, #tpu.dimension_semantics<subcore_parallel>], iteration_bounds = array<i64: 2, 16>, scalar_prefetch = 0 : i64, scratch_operands = 4 : i64, tpu.core_type = #tpu.core_type<sc_vector_subcore>, window_params = [{transform_indices = #map}, {transform_indices = #map1}, {transform_indices = #map}]} {
    %mul3A = arith.constant 2 : i32
    %mul3A_0 = arith.muli %arg1, %mul3A : i32
    %add3A = arith.addi %mul3A_0, %arg0 : i32
    %mul3A_1 = arith.constant 2 : i32
    %mul3A_2 = arith.muli %add3A, %mul3A_1 : i32
    %mul3A_3 = arith.constant 16384 : i32
    %mul3A_4 = arith.muli %add3A, %mul3A_3 : i32
    %dma_start3A = arith.constant 4 : i32
    %dma_start3A_5 = tpu.memref_slice %arg2[%mul3A_4] : memref<524288xi32, #tpu.memory_space<hbm>> -> memref<16384xi32, #tpu.memory_space<hbm>>
    %dma_start3A_6 = tpu.memref_slice %arg8[%dma_start3A] : memref<5x!tpu.dma_semaphore, #tpu.memory_space<semaphore_mem>> -> memref<1x!tpu.dma_semaphore, #tpu.memory_space<semaphore_mem>>
    %dma_start3A_7 = tpu.memref_squeeze %dma_start3A_6 : memref<1x!tpu.dma_semaphore, #tpu.memory_space<semaphore_mem>> -> memref<!tpu.dma_semaphore, #tpu.memory_space<semaphore_mem>>
    %dma_start3A_8 = tpu.memref_slice %arg2[%mul3A_4] : memref<524288xi32, #tpu.memory_space<hbm>> -> memref<16384xi32, #tpu.memory_space<hbm>>
    tpu.enqueue_dma source(%dma_start3A_8 : memref<16384xi32, #tpu.memory_space<hbm>>) target(%arg5 : memref<16384xi32, #tpu.memory_space<vmem>>) target_semaphore(%dma_start3A_7 : memref<!tpu.dma_semaphore, #tpu.memory_space<semaphore_mem>>)
    %dma_start3A_9 = arith.constant 0 : i32
    %dma_start3A_10 = arith.constant 0 : i32
    %dma_start3A_11 = arith.constant 0 : i32
    %dma_start3A_12 = arith.constant 0 : i32
    %dma_start3A_13 = arith.constant 0 : i32
    %dma_start3A_14 = tpu.memref_slice %arg7[%dma_start3A_10, %dma_start3A_12, %dma_start3A_13] : memref<4x2x4096xi32, #tpu.memory_space<vmem>> -> memref<1x2x4096xi32, #tpu.memory_space<vmem>>
    %dma_start3A_15 = tpu.memref_squeeze %dma_start3A_14 : memref<1x2x4096xi32, #tpu.memory_space<vmem>> -> memref<2x4096xi32, #tpu.memory_space<vmem>>
    %dma_start3A_16 = arith.constant 0 : i32
    %dma_start3A_17 = arith.constant 0 : i32
    %dma_start3A_18 = tpu.memref_slice %arg3[%dma_start3A_9, %dma_start3A_16, %dma_start3A_17] : memref<128x2x4096xi32, #tpu.memory_space<hbm>> -> memref<1x2x4096xi32, #tpu.memory_space<hbm>>
    %dma_start3A_19 = tpu.memref_squeeze %dma_start3A_18 : memref<1x2x4096xi32, #tpu.memory_space<hbm>> -> memref<2x4096xi32, #tpu.memory_space<hbm>>
    %dma_start3A_20 = tpu.memref_slice %arg8[%dma_start3A_11] : memref<5x!tpu.dma_semaphore, #tpu.memory_space<semaphore_mem>> -> memref<1x!tpu.dma_semaphore, #tpu.memory_space<semaphore_mem>>
    %dma_start3A_21 = tpu.memref_squeeze %dma_start3A_20 : memref<1x!tpu.dma_semaphore, #tpu.memory_space<semaphore_mem>> -> memref<!tpu.dma_semaphore, #tpu.memory_space<semaphore_mem>>
    %dma_start3A_22 = arith.constant 0 : i32
    %dma_start3A_23 = arith.constant 0 : i32
    %dma_start3A_24 = tpu.memref_slice %arg7[%dma_start3A_10, %dma_start3A_22, %dma_start3A_23] : memref<4x2x4096xi32, #tpu.memory_space<vmem>> -> memref<1x2x4096xi32, #tpu.memory_space<vmem>>
    %dma_start3A_25 = tpu.memref_squeeze %dma_start3A_24 : memref<1x2x4096xi32, #tpu.memory_space<vmem>> -> memref<2x4096xi32, #tpu.memory_space<vmem>>
    %dma_start3A_26 = arith.constant 0 : i32
    %dma_start3A_27 = arith.constant 0 : i32
    %dma_start3A_28 = tpu.memref_slice %arg3[%dma_start3A_9, %dma_start3A_26, %dma_start3A_27] : memref<128x2x4096xi32, #tpu.memory_space<hbm>> -> memref<1x2x4096xi32, #tpu.memory_space<hbm>>
    %dma_start3A_29 = tpu.memref_squeeze %dma_start3A_28 : memref<1x2x4096xi32, #tpu.memory_space<hbm>> -> memref<2x4096xi32, #tpu.memory_space<hbm>>
    tpu.enqueue_dma source(%dma_start3A_29 : memref<2x4096xi32, #tpu.memory_space<hbm>>) target(%dma_start3A_25 : memref<2x4096xi32, #tpu.memory_space<vmem>>) target_semaphore(%dma_start3A_21 : memref<!tpu.dma_semaphore, #tpu.memory_space<semaphore_mem>>)
    %dma_start3A_30 = arith.constant 1 : i32
    %dma_start3A_31 = arith.constant 1 : i32
    %dma_start3A_32 = arith.constant 1 : i32
    %dma_start3A_33 = arith.constant 0 : i32
    %dma_start3A_34 = arith.constant 0 : i32
    %dma_start3A_35 = tpu.memref_slice %arg7[%dma_start3A_31, %dma_start3A_33, %dma_start3A_34] : memref<4x2x4096xi32, #tpu.memory_space<vmem>> -> memref<1x2x4096xi32, #tpu.memory_space<vmem>>
    %dma_start3A_36 = tpu.memref_squeeze %dma_start3A_35 : memref<1x2x4096xi32, #tpu.memory_space<vmem>> -> memref<2x4096xi32, #tpu.memory_space<vmem>>
    %dma_start3A_37 = arith.constant 0 : i32
    %dma_start3A_38 = arith.constant 0 : i32
    %dma_start3A_39 = tpu.memref_slice %arg3[%dma_start3A_30, %dma_start3A_37, %dma_start3A_38] : memref<128x2x4096xi32, #tpu.memory_space<hbm>> -> memref<1x2x4096xi32, #tpu.memory_space<hbm>>
    %dma_start3A_40 = tpu.memref_squeeze %dma_start3A_39 : memref<1x2x4096xi32, #tpu.memory_space<hbm>> -> memref<2x4096xi32, #tpu.memory_space<hbm>>
    %dma_start3A_41 = tpu.memref_slice %arg8[%dma_start3A_32] : memref<5x!tpu.dma_semaphore, #tpu.memory_space<semaphore_mem>> -> memref<1x!tpu.dma_semaphore, #tpu.memory_space<semaphore_mem>>
    %dma_start3A_42 = tpu.memref_squeeze %dma_start3A_41 : memref<1x!tpu.dma_semaphore, #tpu.memory_space<semaphore_mem>> -> memref<!tpu.dma_semaphore, #tpu.memory_space<semaphore_mem>>
    %dma_start3A_43 = arith.constant 0 : i32
    %dma_start3A_44 = arith.constant 0 : i32
    %dma_start3A_45 = tpu.memref_slice %arg7[%dma_start3A_31, %dma_start3A_43, %dma_start3A_44] : memref<4x2x4096xi32, #tpu.memory_space<vmem>> -> memref<1x2x4096xi32, #tpu.memory_space<vmem>>
    %dma_start3A_46 = tpu.memref_squeeze %dma_start3A_45 : memref<1x2x4096xi32, #tpu.memory_space<vmem>> -> memref<2x4096xi32, #tpu.memory_space<vmem>>
    %dma_start3A_47 = arith.constant 0 : i32
    %dma_start3A_48 = arith.constant 0 : i32
    %dma_start3A_49 = tpu.memref_slice %arg3[%dma_start3A_30, %dma_start3A_47, %dma_start3A_48] : memref<128x2x4096xi32, #tpu.memory_space<hbm>> -> memref<1x2x4096xi32, #tpu.memory_space<hbm>>
    %dma_start3A_50 = tpu.memref_squeeze %dma_start3A_49 : memref<1x2x4096xi32, #tpu.memory_space<hbm>> -> memref<2x4096xi32, #tpu.memory_space<hbm>>
    tpu.enqueue_dma source(%dma_start3A_50 : memref<2x4096xi32, #tpu.memory_space<hbm>>) target(%dma_start3A_46 : memref<2x4096xi32, #tpu.memory_space<vmem>>) target_semaphore(%dma_start3A_42 : memref<!tpu.dma_semaphore, #tpu.memory_space<semaphore_mem>>)
    %dma_start3A_51 = arith.constant 2 : i32
    %dma_start3A_52 = arith.constant 2 : i32
    %dma_start3A_53 = arith.constant 2 : i32
    %dma_start3A_54 = arith.constant 0 : i32
    %dma_start3A_55 = arith.constant 0 : i32
    %dma_start3A_56 = tpu.memref_slice %arg7[%dma_start3A_52, %dma_start3A_54, %dma_start3A_55] : memref<4x2x4096xi32, #tpu.memory_space<vmem>> -> memref<1x2x4096xi32, #tpu.memory_space<vmem>>
    %dma_start3A_57 = tpu.memref_squeeze %dma_start3A_56 : memref<1x2x4096xi32, #tpu.memory_space<vmem>> -> memref<2x4096xi32, #tpu.memory_space<vmem>>
    %dma_start3A_58 = arith.constant 0 : i32
    %dma_start3A_59 = arith.constant 0 : i32
    %dma_start3A_60 = tpu.memref_slice %arg3[%dma_start3A_51, %dma_start3A_58, %dma_start3A_59] : memref<128x2x4096xi32, #tpu.memory_space<hbm>> -> memref<1x2x4096xi32, #tpu.memory_space<hbm>>
    %dma_start3A_61 = tpu.memref_squeeze %dma_start3A_60 : memref<1x2x4096xi32, #tpu.memory_space<hbm>> -> memref<2x4096xi32, #tpu.memory_space<hbm>>
    %dma_start3A_62 = tpu.memref_slice %arg8[%dma_start3A_53] : memref<5x!tpu.dma_semaphore, #tpu.memory_space<semaphore_mem>> -> memref<1x!tpu.dma_semaphore, #tpu.memory_space<semaphore_mem>>
    %dma_start3A_63 = tpu.memref_squeeze %dma_start3A_62 : memref<1x!tpu.dma_semaphore, #tpu.memory_space<semaphore_mem>> -> memref<!tpu.dma_semaphore, #tpu.memory_space<semaphore_mem>>
    %dma_start3A_64 = arith.constant 0 : i32
    %dma_start3A_65 = arith.constant 0 : i32
    %dma_start3A_66 = tpu.memref_slice %arg7[%dma_start3A_52, %dma_start3A_64, %dma_start3A_65] : memref<4x2x4096xi32, #tpu.memory_space<vmem>> -> memref<1x2x4096xi32, #tpu.memory_space<vmem>>
    %dma_start3A_67 = tpu.memref_squeeze %dma_start3A_66 : memref<1x2x4096xi32, #tpu.memory_space<vmem>> -> memref<2x4096xi32, #tpu.memory_space<vmem>>
    %dma_start3A_68 = arith.constant 0 : i32
    %dma_start3A_69 = arith.constant 0 : i32
    %dma_start3A_70 = tpu.memref_slice %arg3[%dma_start3A_51, %dma_start3A_68, %dma_start3A_69] : memref<128x2x4096xi32, #tpu.memory_space<hbm>> -> memref<1x2x4096xi32, #tpu.memory_space<hbm>>
    %dma_start3A_71 = tpu.memref_squeeze %dma_start3A_70 : memref<1x2x4096xi32, #tpu.memory_space<hbm>> -> memref<2x4096xi32, #tpu.memory_space<hbm>>
    tpu.enqueue_dma source(%dma_start3A_71 : memref<2x4096xi32, #tpu.memory_space<hbm>>) target(%dma_start3A_67 : memref<2x4096xi32, #tpu.memory_space<vmem>>) target_semaphore(%dma_start3A_63 : memref<!tpu.dma_semaphore, #tpu.memory_space<semaphore_mem>>)
    %broadcast_in_dim3A = arith.constant 0.000000e+00 : f32
    %broadcast_in_dim3A_72 = vector.broadcast %broadcast_in_dim3A : f32 to vector<16xf32>
    %parallel_loop3A = arith.constant 0 : i32
    %parallel_loop3A_73 = arith.constant 4096 : i32
    %parallel_loop3A_74 = arith.constant 1 : i32
    scf.for %parallel_loop3A_87 = %parallel_loop3A to %parallel_loop3A_73 step %parallel_loop3A_74  : i32 {
      %parallel_loop3A_88 = arith.constant 16 : i32
      %parallel_loop3A_89 = arith.muli %parallel_loop3A_87, %parallel_loop3A_88 : i32
      %parallel_loop3A_90 = arith.index_cast %parallel_loop3A_89 : i32 to index
      %parallel_loop3A_91 = tpu.vector_load %arg6[%parallel_loop3A_90] {strides = array<i32>} : memref<65536xf32, #tpu.memory_space<vmem>>, vector<16xf32>,
      tpu.vector_store %arg6[%parallel_loop3A_90], %broadcast_in_dim3A_72 {strides = array<i32>} : memref<65536xf32, #tpu.memory_space<vmem>>, vector<16xf32>,
    } {sc.loop_unroll_factor = 8 : i64, sc.parallel_access}
    %dma_wait3A = arith.constant 4 : i32
    %dma_wait3A_75 = tpu.memref_slice %arg2[%mul3A_4] : memref<524288xi32, #tpu.memory_space<hbm>> -> memref<16384xi32, #tpu.memory_space<hbm>>
    %dma_wait3A_76 = tpu.memref_slice %arg8[%dma_wait3A] : memref<5x!tpu.dma_semaphore, #tpu.memory_space<semaphore_mem>> -> memref<1x!tpu.dma_semaphore, #tpu.memory_space<semaphore_mem>>
    %dma_wait3A_77 = tpu.memref_squeeze %dma_wait3A_76 : memref<1x!tpu.dma_semaphore, #tpu.memory_space<semaphore_mem>> -> memref<!tpu.dma_semaphore, #tpu.memory_space<semaphore_mem>>
    %dma_wait3A_78 = tpu.memref_slice %arg2[%mul3A_4] : memref<524288xi32, #tpu.memory_space<hbm>> -> memref<16384xi32, #tpu.memory_space<hbm>>
    tpu.wait_dma2 semaphore(%dma_wait3A_77 : memref<!tpu.dma_semaphore, #tpu.memory_space<semaphore_mem>>) src(%dma_wait3A_78 : memref<16384xi32, #tpu.memory_space<hbm>>) dst(%arg5 : memref<16384xi32, #tpu.memory_space<vmem>>)
    %broadcast_in_dim3A_79 = arith.constant 16383 : i32
    %broadcast_in_dim3A_80 = vector.broadcast %broadcast_in_dim3A_79 : i32 to vector<16xi32>
    %scan3A = arith.constant 0 : i32
    %scan3A_81 = arith.constant 32 : i32
    %scan3A_82 = arith.addi %scan3A, %scan3A_81 : i32
    %scan3A_83 = arith.constant 1 : i32
    scf.for %scan3A_87 = %scan3A to %scan3A_82 step %scan3A_83  : i32 {
      %mul3A_88 = arith.constant 4 : i32
      %mul3A_89 = arith.muli %scan3A_87, %mul3A_88 : i32
      %add3A_90 = arith.constant 0 : i32
      %add3A_91 = arith.addi %add3A_90, %mul3A_89 : i32
      %add3A_92 = arith.constant 0 : i32
      %add3A_93 = arith.addi %add3A_91, %add3A_92 : i32
      %add3A_94 = arith.constant 3 : i32
      %add3A_95 = arith.addi %add3A_93, %add3A_94 : i32
      %lt3A = arith.constant 128 : i32
      %lt3A_96 = arith.cmpi slt, %add3A_95, %lt3A : i32
      %convert_element_type3A = arith.extui %lt3A_96 : i1 to i32
      %cond3A = arith.constant 0 : i32
      %cond3A_97 = arith.cmpi ne, %convert_element_type3A, %cond3A : i32
      scf.if %cond3A_97 {
        %dma_start3A_217 = arith.constant 3 : i32
        %dma_start3A_218 = arith.constant 3 : i32
        %dma_start3A_219 = arith.constant 0 : i32
        %dma_start3A_220 = arith.constant 0 : i32
        %dma_start3A_221 = tpu.memref_slice %arg7[%dma_start3A_217, %dma_start3A_219, %dma_start3A_220] : memref<4x2x4096xi32, #tpu.memory_space<vmem>> -> memref<1x2x4096xi32, #tpu.memory_space<vmem>>
        %dma_start3A_222 = tpu.memref_squeeze %dma_start3A_221 : memref<1x2x4096xi32, #tpu.memory_space<vmem>> -> memref<2x4096xi32, #tpu.memory_space<vmem>>
        %dma_start3A_223 = arith.constant 0 : i32
        %dma_start3A_224 = arith.constant 0 : i32
        %dma_start3A_225 = tpu.memref_slice %arg3[%add3A_95, %dma_start3A_223, %dma_start3A_224] : memref<128x2x4096xi32, #tpu.memory_space<hbm>> -> memref<1x2x4096xi32, #tpu.memory_space<hbm>>
        %dma_start3A_226 = tpu.memref_squeeze %dma_start3A_225 : memref<1x2x4096xi32, #tpu.memory_space<hbm>> -> memref<2x4096xi32, #tpu.memory_space<hbm>>
        %dma_start3A_227 = tpu.memref_slice %arg8[%dma_start3A_218] : memref<5x!tpu.dma_semaphore, #tpu.memory_space<semaphore_mem>> -> memref<1x!tpu.dma_semaphore, #tpu.memory_space<semaphore_mem>>
        %dma_start3A_228 = tpu.memref_squeeze %dma_start3A_227 : memref<1x!tpu.dma_semaphore, #tpu.memory_space<semaphore_mem>> -> memref<!tpu.dma_semaphore, #tpu.memory_space<semaphore_mem>>
        %dma_start3A_229 = arith.constant 0 : i32
        %dma_start3A_230 = arith.constant 0 : i32
        %dma_start3A_231 = tpu.memref_slice %arg7[%dma_start3A_217, %dma_start3A_229, %dma_start3A_230] : memref<4x2x4096xi32, #tpu.memory_space<vmem>> -> memref<1x2x4096xi32, #tpu.memory_space<vmem>>
        %dma_start3A_232 = tpu.memref_squeeze %dma_start3A_231 : memref<1x2x4096xi32, #tpu.memory_space<vmem>> -> memref<2x4096xi32, #tpu.memory_space<vmem>>
        %dma_start3A_233 = arith.constant 0 : i32
        %dma_start3A_234 = arith.constant 0 : i32
        %dma_start3A_235 = tpu.memref_slice %arg3[%add3A_95, %dma_start3A_233, %dma_start3A_234] : memref<128x2x4096xi32, #tpu.memory_space<hbm>> -> memref<1x2x4096xi32, #tpu.memory_space<hbm>>
        %dma_start3A_236 = tpu.memref_squeeze %dma_start3A_235 : memref<1x2x4096xi32, #tpu.memory_space<hbm>> -> memref<2x4096xi32, #tpu.memory_space<hbm>>
        tpu.enqueue_dma source(%dma_start3A_236 : memref<2x4096xi32, #tpu.memory_space<hbm>>) target(%dma_start3A_232 : memref<2x4096xi32, #tpu.memory_space<vmem>>) target_semaphore(%dma_start3A_228 : memref<!tpu.dma_semaphore, #tpu.memory_space<semaphore_mem>>)
      } else {
      }
      %dma_wait3A_98 = arith.constant 0 : i32
      %dma_wait3A_99 = arith.constant 0 : i32
      %dma_wait3A_100 = arith.constant 0 : i32
      %dma_wait3A_101 = arith.constant 0 : i32
      %dma_wait3A_102 = tpu.memref_slice %arg7[%dma_wait3A_98, %dma_wait3A_100, %dma_wait3A_101] : memref<4x2x4096xi32, #tpu.memory_space<vmem>> -> memref<1x2x4096xi32, #tpu.memory_space<vmem>>
      %dma_wait3A_103 = tpu.memref_squeeze %dma_wait3A_102 : memref<1x2x4096xi32, #tpu.memory_space<vmem>> -> memref<2x4096xi32, #tpu.memory_space<vmem>>
      %dma_wait3A_104 = arith.constant 0 : i32
      %dma_wait3A_105 = arith.constant 0 : i32
      %dma_wait3A_106 = tpu.memref_slice %arg3[%add3A_93, %dma_wait3A_104, %dma_wait3A_105] : memref<128x2x4096xi32, #tpu.memory_space<hbm>> -> memref<1x2x4096xi32, #tpu.memory_space<hbm>>
      %dma_wait3A_107 = tpu.memref_squeeze %dma_wait3A_106 : memref<1x2x4096xi32, #tpu.memory_space<hbm>> -> memref<2x4096xi32, #tpu.memory_space<hbm>>
      %dma_wait3A_108 = tpu.memref_slice %arg8[%dma_wait3A_99] : memref<5x!tpu.dma_semaphore, #tpu.memory_space<semaphore_mem>> -> memref<1x!tpu.dma_semaphore, #tpu.memory_space<semaphore_mem>>
      %dma_wait3A_109 = tpu.memref_squeeze %dma_wait3A_108 : memref<1x!tpu.dma_semaphore, #tpu.memory_space<semaphore_mem>> -> memref<!tpu.dma_semaphore, #tpu.memory_space<semaphore_mem>>
      %dma_wait3A_110 = arith.constant 0 : i32
      %dma_wait3A_111 = arith.constant 0 : i32
      %dma_wait3A_112 = tpu.memref_slice %arg7[%dma_wait3A_98, %dma_wait3A_110, %dma_wait3A_111] : memref<4x2x4096xi32, #tpu.memory_space<vmem>> -> memref<1x2x4096xi32, #tpu.memory_space<vmem>>
      %dma_wait3A_113 = tpu.memref_squeeze %dma_wait3A_112 : memref<1x2x4096xi32, #tpu.memory_space<vmem>> -> memref<2x4096xi32, #tpu.memory_space<vmem>>
      %dma_wait3A_114 = arith.constant 0 : i32
      %dma_wait3A_115 = arith.constant 0 : i32
      %dma_wait3A_116 = tpu.memref_slice %arg3[%add3A_93, %dma_wait3A_114, %dma_wait3A_115] : memref<128x2x4096xi32, #tpu.memory_space<hbm>> -> memref<1x2x4096xi32, #tpu.memory_space<hbm>>
      %dma_wait3A_117 = tpu.memref_squeeze %dma_wait3A_116 : memref<1x2x4096xi32, #tpu.memory_space<hbm>> -> memref<2x4096xi32, #tpu.memory_space<hbm>>
      tpu.wait_dma2 semaphore(%dma_wait3A_109 : memref<!tpu.dma_semaphore, #tpu.memory_space<semaphore_mem>>) src(%dma_wait3A_117 : memref<2x4096xi32, #tpu.memory_space<hbm>>) dst(%dma_wait3A_113 : memref<2x4096xi32, #tpu.memory_space<vmem>>)
      %parallel_loop3A_118 = arith.constant 0 : i32
      %parallel_loop3A_119 = arith.constant 256 : i32
      %parallel_loop3A_120 = arith.constant 1 : i32
      scf.for %parallel_loop3A_217 = %parallel_loop3A_118 to %parallel_loop3A_119 step %parallel_loop3A_120  : i32 {
        %parallel_loop3A_218 = arith.constant 16 : i32
        %parallel_loop3A_219 = arith.muli %parallel_loop3A_217, %parallel_loop3A_218 : i32
        %parallel_loop3A_220 = arith.constant 0 : i32
        %parallel_loop3A_221 = arith.constant 0 : i32
        %parallel_loop3A_222 = arith.index_cast %parallel_loop3A_220 : i32 to index
        %parallel_loop3A_223 = arith.index_cast %parallel_loop3A_221 : i32 to index
        %parallel_loop3A_224 = arith.index_cast %parallel_loop3A_219 : i32 to index
        %parallel_loop3A_225 = tpu.vector_load %arg7[%parallel_loop3A_222, %parallel_loop3A_223, %parallel_loop3A_224] {strides = array<i32>} : memref<4x2x4096xi32, #tpu.memory_space<vmem>>, vector<16xi32>,
        %parallel_loop3A_226 = arith.andi %parallel_loop3A_225, %broadcast_in_dim3A_80 : vector<16xi32>
        %parallel_loop3A_227 = arith.constant 14 : i32
        %parallel_loop3A_228 = vector.broadcast %parallel_loop3A_227 : i32 to vector<16xi32>
        %parallel_loop3A_229 = arith.shrui %parallel_loop3A_225, %parallel_loop3A_228 : vector<16xi32>
        %parallel_loop3A_230 = arith.constant 0 : i32
        %parallel_loop3A_231 = arith.constant 1 : i32
        %parallel_loop3A_232 = arith.index_cast %parallel_loop3A_230 : i32 to index
        %parallel_loop3A_233 = arith.index_cast %parallel_loop3A_231 : i32 to index
        %parallel_loop3A_234 = arith.index_cast %parallel_loop3A_219 : i32 to index
        %parallel_loop3A_235 = tpu.vector_load %arg7[%parallel_loop3A_232, %parallel_loop3A_233, %parallel_loop3A_234] {strides = array<i32>} : memref<4x2x4096xi32, #tpu.memory_space<vmem>>, vector<16xi32>,
        %parallel_loop3A_236 = vector.bitcast %parallel_loop3A_235 : vector<16xi32> to vector<16xf32>
        %parallel_loop3A_237 = tpu.vector_load_idx %arg5[%parallel_loop3A_226] : memref<16384xi32, #tpu.memory_space<vmem>>[vector<16xi32>], vector<16xi32>,
        %parallel_loop3A_238 = vector.bitcast %parallel_loop3A_237 : vector<16xi32> to vector<32xbf16>
        %parallel_loop3A_239 = tpu.unpack_subelements %parallel_loop3A_238, 0 {pack_format = #tpu.pack_format<interleaved>} : vector<32xbf16> -> vector<16xf32>
        %parallel_loop3A_240 = tpu.unpack_subelements %parallel_loop3A_238, 1 {pack_format = #tpu.pack_format<interleaved>} : vector<32xbf16> -> vector<16xf32>
        %parallel_loop3A_241 = arith.mulf %parallel_loop3A_239, %parallel_loop3A_236 : vector<16xf32>
        tpu.vector_store_idx %arg6[%parallel_loop3A_229], %parallel_loop3A_241 {add = true} : memref<65536xf32, #tpu.memory_space<vmem>>[vector<16xi32>], vector<16xf32>,
        %parallel_loop3A_242 = arith.constant 32768 : i32
        %parallel_loop3A_243 = vector.broadcast %parallel_loop3A_242 : i32 to vector<16xi32>
        %parallel_loop3A_244 = arith.addi %parallel_loop3A_229, %parallel_loop3A_243 : vector<16xi32>
        %parallel_loop3A_245 = arith.mulf %parallel_loop3A_240, %parallel_loop3A_236 : vector<16xf32>
        tpu.vector_store_idx %arg6[%parallel_loop3A_244], %parallel_loop3A_245 {add = true} : memref<65536xf32, #tpu.memory_space<vmem>>[vector<16xi32>], vector<16xf32>,
      } {sc.loop_unroll_factor = 8 : i64, sc.parallel_access}
      %add3A_121 = arith.constant 1 : i32
      %add3A_122 = arith.addi %add3A_91, %add3A_121 : i32
      %add3A_123 = arith.constant 3 : i32
      %add3A_124 = arith.addi %add3A_122, %add3A_123 : i32
      %lt3A_125 = arith.constant 128 : i32
      %lt3A_126 = arith.cmpi slt, %add3A_124, %lt3A_125 : i32
      %convert_element_type3A_127 = arith.extui %lt3A_126 : i1 to i32
      %cond3A_128 = arith.constant 0 : i32
      %cond3A_129 = arith.cmpi ne, %convert_element_type3A_127, %cond3A_128 : i32
      scf.if %cond3A_129 {
        %dma_start3A_217 = arith.constant 0 : i32
        %dma_start3A_218 = arith.constant 0 : i32
        %dma_start3A_219 = arith.constant 0 : i32
        %dma_start3A_220 = arith.constant 0 : i32
        %dma_start3A_221 = tpu.memref_slice %arg7[%dma_start3A_217, %dma_start3A_219, %dma_start3A_220] : memref<4x2x4096xi32, #tpu.memory_space<vmem>> -> memref<1x2x4096xi32, #tpu.memory_space<vmem>>
        %dma_start3A_222 = tpu.memref_squeeze %dma_start3A_221 : memref<1x2x4096xi32, #tpu.memory_space<vmem>> -> memref<2x4096xi32, #tpu.memory_space<vmem>>
        %dma_start3A_223 = arith.constant 0 : i32
        %dma_start3A_224 = arith.constant 0 : i32
        %dma_start3A_225 = tpu.memref_slice %arg3[%add3A_124, %dma_start3A_223, %dma_start3A_224] : memref<128x2x4096xi32, #tpu.memory_space<hbm>> -> memref<1x2x4096xi32, #tpu.memory_space<hbm>>
        %dma_start3A_226 = tpu.memref_squeeze %dma_start3A_225 : memref<1x2x4096xi32, #tpu.memory_space<hbm>> -> memref<2x4096xi32, #tpu.memory_space<hbm>>
        %dma_start3A_227 = tpu.memref_slice %arg8[%dma_start3A_218] : memref<5x!tpu.dma_semaphore, #tpu.memory_space<semaphore_mem>> -> memref<1x!tpu.dma_semaphore, #tpu.memory_space<semaphore_mem>>
        %dma_start3A_228 = tpu.memref_squeeze %dma_start3A_227 : memref<1x!tpu.dma_semaphore, #tpu.memory_space<semaphore_mem>> -> memref<!tpu.dma_semaphore, #tpu.memory_space<semaphore_mem>>
        %dma_start3A_229 = arith.constant 0 : i32
        %dma_start3A_230 = arith.constant 0 : i32
        %dma_start3A_231 = tpu.memref_slice %arg7[%dma_start3A_217, %dma_start3A_229, %dma_start3A_230] : memref<4x2x4096xi32, #tpu.memory_space<vmem>> -> memref<1x2x4096xi32, #tpu.memory_space<vmem>>
        %dma_start3A_232 = tpu.memref_squeeze %dma_start3A_231 : memref<1x2x4096xi32, #tpu.memory_space<vmem>> -> memref<2x4096xi32, #tpu.memory_space<vmem>>
        %dma_start3A_233 = arith.constant 0 : i32
        %dma_start3A_234 = arith.constant 0 : i32
        %dma_start3A_235 = tpu.memref_slice %arg3[%add3A_124, %dma_start3A_233, %dma_start3A_234] : memref<128x2x4096xi32, #tpu.memory_space<hbm>> -> memref<1x2x4096xi32, #tpu.memory_space<hbm>>
        %dma_start3A_236 = tpu.memref_squeeze %dma_start3A_235 : memref<1x2x4096xi32, #tpu.memory_space<hbm>> -> memref<2x4096xi32, #tpu.memory_space<hbm>>
        tpu.enqueue_dma source(%dma_start3A_236 : memref<2x4096xi32, #tpu.memory_space<hbm>>) target(%dma_start3A_232 : memref<2x4096xi32, #tpu.memory_space<vmem>>) target_semaphore(%dma_start3A_228 : memref<!tpu.dma_semaphore, #tpu.memory_space<semaphore_mem>>)
      } else {
      }
      %dma_wait3A_130 = arith.constant 1 : i32
      %dma_wait3A_131 = arith.constant 1 : i32
      %dma_wait3A_132 = arith.constant 0 : i32
      %dma_wait3A_133 = arith.constant 0 : i32
      %dma_wait3A_134 = tpu.memref_slice %arg7[%dma_wait3A_130, %dma_wait3A_132, %dma_wait3A_133] : memref<4x2x4096xi32, #tpu.memory_space<vmem>> -> memref<1x2x4096xi32, #tpu.memory_space<vmem>>
      %dma_wait3A_135 = tpu.memref_squeeze %dma_wait3A_134 : memref<1x2x4096xi32, #tpu.memory_space<vmem>> -> memref<2x4096xi32, #tpu.memory_space<vmem>>
      %dma_wait3A_136 = arith.constant 0 : i32
      %dma_wait3A_137 = arith.constant 0 : i32
      %dma_wait3A_138 = tpu.memref_slice %arg3[%add3A_122, %dma_wait3A_136, %dma_wait3A_137] : memref<128x2x4096xi32, #tpu.memory_space<hbm>> -> memref<1x2x4096xi32, #tpu.memory_space<hbm>>
      %dma_wait3A_139 = tpu.memref_squeeze %dma_wait3A_138 : memref<1x2x4096xi32, #tpu.memory_space<hbm>> -> memref<2x4096xi32, #tpu.memory_space<hbm>>
      %dma_wait3A_140 = tpu.memref_slice %arg8[%dma_wait3A_131] : memref<5x!tpu.dma_semaphore, #tpu.memory_space<semaphore_mem>> -> memref<1x!tpu.dma_semaphore, #tpu.memory_space<semaphore_mem>>
      %dma_wait3A_141 = tpu.memref_squeeze %dma_wait3A_140 : memref<1x!tpu.dma_semaphore, #tpu.memory_space<semaphore_mem>> -> memref<!tpu.dma_semaphore, #tpu.memory_space<semaphore_mem>>
      %dma_wait3A_142 = arith.constant 0 : i32
      %dma_wait3A_143 = arith.constant 0 : i32
      %dma_wait3A_144 = tpu.memref_slice %arg7[%dma_wait3A_130, %dma_wait3A_142, %dma_wait3A_143] : memref<4x2x4096xi32, #tpu.memory_space<vmem>> -> memref<1x2x4096xi32, #tpu.memory_space<vmem>>
      %dma_wait3A_145 = tpu.memref_squeeze %dma_wait3A_144 : memref<1x2x4096xi32, #tpu.memory_space<vmem>> -> memref<2x4096xi32, #tpu.memory_space<vmem>>
      %dma_wait3A_146 = arith.constant 0 : i32
      %dma_wait3A_147 = arith.constant 0 : i32
      %dma_wait3A_148 = tpu.memref_slice %arg3[%add3A_122, %dma_wait3A_146, %dma_wait3A_147] : memref<128x2x4096xi32, #tpu.memory_space<hbm>> -> memref<1x2x4096xi32, #tpu.memory_space<hbm>>
      %dma_wait3A_149 = tpu.memref_squeeze %dma_wait3A_148 : memref<1x2x4096xi32, #tpu.memory_space<hbm>> -> memref<2x4096xi32, #tpu.memory_space<hbm>>
      tpu.wait_dma2 semaphore(%dma_wait3A_141 : memref<!tpu.dma_semaphore, #tpu.memory_space<semaphore_mem>>) src(%dma_wait3A_149 : memref<2x4096xi32, #tpu.memory_space<hbm>>) dst(%dma_wait3A_145 : memref<2x4096xi32, #tpu.memory_space<vmem>>)
      %parallel_loop3A_150 = arith.constant 0 : i32
      %parallel_loop3A_151 = arith.constant 256 : i32
      %parallel_loop3A_152 = arith.constant 1 : i32
      scf.for %parallel_loop3A_217 = %parallel_loop3A_150 to %parallel_loop3A_151 step %parallel_loop3A_152  : i32 {
        %parallel_loop3A_218 = arith.constant 16 : i32
        %parallel_loop3A_219 = arith.muli %parallel_loop3A_217, %parallel_loop3A_218 : i32
        %parallel_loop3A_220 = arith.constant 1 : i32
        %parallel_loop3A_221 = arith.constant 0 : i32
        %parallel_loop3A_222 = arith.index_cast %parallel_loop3A_220 : i32 to index
        %parallel_loop3A_223 = arith.index_cast %parallel_loop3A_221 : i32 to index
        %parallel_loop3A_224 = arith.index_cast %parallel_loop3A_219 : i32 to index
        %parallel_loop3A_225 = tpu.vector_load %arg7[%parallel_loop3A_222, %parallel_loop3A_223, %parallel_loop3A_224] {strides = array<i32>} : memref<4x2x4096xi32, #tpu.memory_space<vmem>>, vector<16xi32>,
        %parallel_loop3A_226 = arith.andi %parallel_loop3A_225, %broadcast_in_dim3A_80 : vector<16xi32>
        %parallel_loop3A_227 = arith.constant 14 : i32
        %parallel_loop3A_228 = vector.broadcast %parallel_loop3A_227 : i32 to vector<16xi32>
        %parallel_loop3A_229 = arith.shrui %parallel_loop3A_225, %parallel_loop3A_228 : vector<16xi32>
        %parallel_loop3A_230 = arith.constant 1 : i32
        %parallel_loop3A_231 = arith.constant 1 : i32
        %parallel_loop3A_232 = arith.index_cast %parallel_loop3A_230 : i32 to index
        %parallel_loop3A_233 = arith.index_cast %parallel_loop3A_231 : i32 to index
        %parallel_loop3A_234 = arith.index_cast %parallel_loop3A_219 : i32 to index
        %parallel_loop3A_235 = tpu.vector_load %arg7[%parallel_loop3A_232, %parallel_loop3A_233, %parallel_loop3A_234] {strides = array<i32>} : memref<4x2x4096xi32, #tpu.memory_space<vmem>>, vector<16xi32>,
        %parallel_loop3A_236 = vector.bitcast %parallel_loop3A_235 : vector<16xi32> to vector<16xf32>
        %parallel_loop3A_237 = tpu.vector_load_idx %arg5[%parallel_loop3A_226] : memref<16384xi32, #tpu.memory_space<vmem>>[vector<16xi32>], vector<16xi32>,
        %parallel_loop3A_238 = vector.bitcast %parallel_loop3A_237 : vector<16xi32> to vector<32xbf16>
        %parallel_loop3A_239 = tpu.unpack_subelements %parallel_loop3A_238, 0 {pack_format = #tpu.pack_format<interleaved>} : vector<32xbf16> -> vector<16xf32>
        %parallel_loop3A_240 = tpu.unpack_subelements %parallel_loop3A_238, 1 {pack_format = #tpu.pack_format<interleaved>} : vector<32xbf16> -> vector<16xf32>
        %parallel_loop3A_241 = arith.mulf %parallel_loop3A_239, %parallel_loop3A_236 : vector<16xf32>
        tpu.vector_store_idx %arg6[%parallel_loop3A_229], %parallel_loop3A_241 {add = true} : memref<65536xf32, #tpu.memory_space<vmem>>[vector<16xi32>], vector<16xf32>,
        %parallel_loop3A_242 = arith.constant 32768 : i32
        %parallel_loop3A_243 = vector.broadcast %parallel_loop3A_242 : i32 to vector<16xi32>
        %parallel_loop3A_244 = arith.addi %parallel_loop3A_229, %parallel_loop3A_243 : vector<16xi32>
        %parallel_loop3A_245 = arith.mulf %parallel_loop3A_240, %parallel_loop3A_236 : vector<16xf32>
        tpu.vector_store_idx %arg6[%parallel_loop3A_244], %parallel_loop3A_245 {add = true} : memref<65536xf32, #tpu.memory_space<vmem>>[vector<16xi32>], vector<16xf32>,
      } {sc.loop_unroll_factor = 8 : i64, sc.parallel_access}
      %add3A_153 = arith.constant 2 : i32
      %add3A_154 = arith.addi %add3A_91, %add3A_153 : i32
      %add3A_155 = arith.constant 3 : i32
      %add3A_156 = arith.addi %add3A_154, %add3A_155 : i32
      %lt3A_157 = arith.constant 128 : i32
      %lt3A_158 = arith.cmpi slt, %add3A_156, %lt3A_157 : i32
      %convert_element_type3A_159 = arith.extui %lt3A_158 : i1 to i32
      %cond3A_160 = arith.constant 0 : i32
      %cond3A_161 = arith.cmpi ne, %convert_element_type3A_159, %cond3A_160 : i32
      scf.if %cond3A_161 {
        %dma_start3A_217 = arith.constant 1 : i32
        %dma_start3A_218 = arith.constant 1 : i32
        %dma_start3A_219 = arith.constant 0 : i32
        %dma_start3A_220 = arith.constant 0 : i32
        %dma_start3A_221 = tpu.memref_slice %arg7[%dma_start3A_217, %dma_start3A_219, %dma_start3A_220] : memref<4x2x4096xi32, #tpu.memory_space<vmem>> -> memref<1x2x4096xi32, #tpu.memory_space<vmem>>
        %dma_start3A_222 = tpu.memref_squeeze %dma_start3A_221 : memref<1x2x4096xi32, #tpu.memory_space<vmem>> -> memref<2x4096xi32, #tpu.memory_space<vmem>>
        %dma_start3A_223 = arith.constant 0 : i32
        %dma_start3A_224 = arith.constant 0 : i32
        %dma_start3A_225 = tpu.memref_slice %arg3[%add3A_156, %dma_start3A_223, %dma_start3A_224] : memref<128x2x4096xi32, #tpu.memory_space<hbm>> -> memref<1x2x4096xi32, #tpu.memory_space<hbm>>
        %dma_start3A_226 = tpu.memref_squeeze %dma_start3A_225 : memref<1x2x4096xi32, #tpu.memory_space<hbm>> -> memref<2x4096xi32, #tpu.memory_space<hbm>>
        %dma_start3A_227 = tpu.memref_slice %arg8[%dma_start3A_218] : memref<5x!tpu.dma_semaphore, #tpu.memory_space<semaphore_mem>> -> memref<1x!tpu.dma_semaphore, #tpu.memory_space<semaphore_mem>>
        %dma_start3A_228 = tpu.memref_squeeze %dma_start3A_227 : memref<1x!tpu.dma_semaphore, #tpu.memory_space<semaphore_mem>> -> memref<!tpu.dma_semaphore, #tpu.memory_space<semaphore_mem>>
        %dma_start3A_229 = arith.constant 0 : i32
        %dma_start3A_230 = arith.constant 0 : i32
        %dma_start3A_231 = tpu.memref_slice %arg7[%dma_start3A_217, %dma_start3A_229, %dma_start3A_230] : memref<4x2x4096xi32, #tpu.memory_space<vmem>> -> memref<1x2x4096xi32, #tpu.memory_space<vmem>>
        %dma_start3A_232 = tpu.memref_squeeze %dma_start3A_231 : memref<1x2x4096xi32, #tpu.memory_space<vmem>> -> memref<2x4096xi32, #tpu.memory_space<vmem>>
        %dma_start3A_233 = arith.constant 0 : i32
        %dma_start3A_234 = arith.constant 0 : i32
        %dma_start3A_235 = tpu.memref_slice %arg3[%add3A_156, %dma_start3A_233, %dma_start3A_234] : memref<128x2x4096xi32, #tpu.memory_space<hbm>> -> memref<1x2x4096xi32, #tpu.memory_space<hbm>>
        %dma_start3A_236 = tpu.memref_squeeze %dma_start3A_235 : memref<1x2x4096xi32, #tpu.memory_space<hbm>> -> memref<2x4096xi32, #tpu.memory_space<hbm>>
        tpu.enqueue_dma source(%dma_start3A_236 : memref<2x4096xi32, #tpu.memory_space<hbm>>) target(%dma_start3A_232 : memref<2x4096xi32, #tpu.memory_space<vmem>>) target_semaphore(%dma_start3A_228 : memref<!tpu.dma_semaphore, #tpu.memory_space<semaphore_mem>>)
      } else {
      }
      %dma_wait3A_162 = arith.constant 2 : i32
      %dma_wait3A_163 = arith.constant 2 : i32
      %dma_wait3A_164 = arith.constant 0 : i32
      %dma_wait3A_165 = arith.constant 0 : i32
      %dma_wait3A_166 = tpu.memref_slice %arg7[%dma_wait3A_162, %dma_wait3A_164, %dma_wait3A_165] : memref<4x2x4096xi32, #tpu.memory_space<vmem>> -> memref<1x2x4096xi32, #tpu.memory_space<vmem>>
      %dma_wait3A_167 = tpu.memref_squeeze %dma_wait3A_166 : memref<1x2x4096xi32, #tpu.memory_space<vmem>> -> memref<2x4096xi32, #tpu.memory_space<vmem>>
      %dma_wait3A_168 = arith.constant 0 : i32
      %dma_wait3A_169 = arith.constant 0 : i32
      %dma_wait3A_170 = tpu.memref_slice %arg3[%add3A_154, %dma_wait3A_168, %dma_wait3A_169] : memref<128x2x4096xi32, #tpu.memory_space<hbm>> -> memref<1x2x4096xi32, #tpu.memory_space<hbm>>
      %dma_wait3A_171 = tpu.memref_squeeze %dma_wait3A_170 : memref<1x2x4096xi32, #tpu.memory_space<hbm>> -> memref<2x4096xi32, #tpu.memory_space<hbm>>
      %dma_wait3A_172 = tpu.memref_slice %arg8[%dma_wait3A_163] : memref<5x!tpu.dma_semaphore, #tpu.memory_space<semaphore_mem>> -> memref<1x!tpu.dma_semaphore, #tpu.memory_space<semaphore_mem>>
      %dma_wait3A_173 = tpu.memref_squeeze %dma_wait3A_172 : memref<1x!tpu.dma_semaphore, #tpu.memory_space<semaphore_mem>> -> memref<!tpu.dma_semaphore, #tpu.memory_space<semaphore_mem>>
      %dma_wait3A_174 = arith.constant 0 : i32
      %dma_wait3A_175 = arith.constant 0 : i32
      %dma_wait3A_176 = tpu.memref_slice %arg7[%dma_wait3A_162, %dma_wait3A_174, %dma_wait3A_175] : memref<4x2x4096xi32, #tpu.memory_space<vmem>> -> memref<1x2x4096xi32, #tpu.memory_space<vmem>>
      %dma_wait3A_177 = tpu.memref_squeeze %dma_wait3A_176 : memref<1x2x4096xi32, #tpu.memory_space<vmem>> -> memref<2x4096xi32, #tpu.memory_space<vmem>>
      %dma_wait3A_178 = arith.constant 0 : i32
      %dma_wait3A_179 = arith.constant 0 : i32
      %dma_wait3A_180 = tpu.memref_slice %arg3[%add3A_154, %dma_wait3A_178, %dma_wait3A_179] : memref<128x2x4096xi32, #tpu.memory_space<hbm>> -> memref<1x2x4096xi32, #tpu.memory_space<hbm>>
      %dma_wait3A_181 = tpu.memref_squeeze %dma_wait3A_180 : memref<1x2x4096xi32, #tpu.memory_space<hbm>> -> memref<2x4096xi32, #tpu.memory_space<hbm>>
      tpu.wait_dma2 semaphore(%dma_wait3A_173 : memref<!tpu.dma_semaphore, #tpu.memory_space<semaphore_mem>>) src(%dma_wait3A_181 : memref<2x4096xi32, #tpu.memory_space<hbm>>) dst(%dma_wait3A_177 : memref<2x4096xi32, #tpu.memory_space<vmem>>)
      %parallel_loop3A_182 = arith.constant 0 : i32
      %parallel_loop3A_183 = arith.constant 256 : i32
      %parallel_loop3A_184 = arith.constant 1 : i32
      scf.for %parallel_loop3A_217 = %parallel_loop3A_182 to %parallel_loop3A_183 step %parallel_loop3A_184  : i32 {
        %parallel_loop3A_218 = arith.constant 16 : i32
        %parallel_loop3A_219 = arith.muli %parallel_loop3A_217, %parallel_loop3A_218 : i32
        %parallel_loop3A_220 = arith.constant 2 : i32
        %parallel_loop3A_221 = arith.constant 0 : i32
        %parallel_loop3A_222 = arith.index_cast %parallel_loop3A_220 : i32 to index
        %parallel_loop3A_223 = arith.index_cast %parallel_loop3A_221 : i32 to index
        %parallel_loop3A_224 = arith.index_cast %parallel_loop3A_219 : i32 to index
        %parallel_loop3A_225 = tpu.vector_load %arg7[%parallel_loop3A_222, %parallel_loop3A_223, %parallel_loop3A_224] {strides = array<i32>} : memref<4x2x4096xi32, #tpu.memory_space<vmem>>, vector<16xi32>,
        %parallel_loop3A_226 = arith.andi %parallel_loop3A_225, %broadcast_in_dim3A_80 : vector<16xi32>
        %parallel_loop3A_227 = arith.constant 14 : i32
        %parallel_loop3A_228 = vector.broadcast %parallel_loop3A_227 : i32 to vector<16xi32>
        %parallel_loop3A_229 = arith.shrui %parallel_loop3A_225, %parallel_loop3A_228 : vector<16xi32>
        %parallel_loop3A_230 = arith.constant 2 : i32
        %parallel_loop3A_231 = arith.constant 1 : i32
        %parallel_loop3A_232 = arith.index_cast %parallel_loop3A_230 : i32 to index
        %parallel_loop3A_233 = arith.index_cast %parallel_loop3A_231 : i32 to index
        %parallel_loop3A_234 = arith.index_cast %parallel_loop3A_219 : i32 to index
        %parallel_loop3A_235 = tpu.vector_load %arg7[%parallel_loop3A_232, %parallel_loop3A_233, %parallel_loop3A_234] {strides = array<i32>} : memref<4x2x4096xi32, #tpu.memory_space<vmem>>, vector<16xi32>,
        %parallel_loop3A_236 = vector.bitcast %parallel_loop3A_235 : vector<16xi32> to vector<16xf32>
        %parallel_loop3A_237 = tpu.vector_load_idx %arg5[%parallel_loop3A_226] : memref<16384xi32, #tpu.memory_space<vmem>>[vector<16xi32>], vector<16xi32>,
        %parallel_loop3A_238 = vector.bitcast %parallel_loop3A_237 : vector<16xi32> to vector<32xbf16>
        %parallel_loop3A_239 = tpu.unpack_subelements %parallel_loop3A_238, 0 {pack_format = #tpu.pack_format<interleaved>} : vector<32xbf16> -> vector<16xf32>
        %parallel_loop3A_240 = tpu.unpack_subelements %parallel_loop3A_238, 1 {pack_format = #tpu.pack_format<interleaved>} : vector<32xbf16> -> vector<16xf32>
        %parallel_loop3A_241 = arith.mulf %parallel_loop3A_239, %parallel_loop3A_236 : vector<16xf32>
        tpu.vector_store_idx %arg6[%parallel_loop3A_229], %parallel_loop3A_241 {add = true} : memref<65536xf32, #tpu.memory_space<vmem>>[vector<16xi32>], vector<16xf32>,
        %parallel_loop3A_242 = arith.constant 32768 : i32
        %parallel_loop3A_243 = vector.broadcast %parallel_loop3A_242 : i32 to vector<16xi32>
        %parallel_loop3A_244 = arith.addi %parallel_loop3A_229, %parallel_loop3A_243 : vector<16xi32>
        %parallel_loop3A_245 = arith.mulf %parallel_loop3A_240, %parallel_loop3A_236 : vector<16xf32>
        tpu.vector_store_idx %arg6[%parallel_loop3A_244], %parallel_loop3A_245 {add = true} : memref<65536xf32, #tpu.memory_space<vmem>>[vector<16xi32>], vector<16xf32>,
      } {sc.loop_unroll_factor = 8 : i64, sc.parallel_access}
      %add3A_185 = arith.constant 3 : i32
      %add3A_186 = arith.addi %add3A_91, %add3A_185 : i32
      %add3A_187 = arith.constant 3 : i32
      %add3A_188 = arith.addi %add3A_186, %add3A_187 : i32
      %lt3A_189 = arith.constant 128 : i32
      %lt3A_190 = arith.cmpi slt, %add3A_188, %lt3A_189 : i32
      %convert_element_type3A_191 = arith.extui %lt3A_190 : i1 to i32
      %cond3A_192 = arith.constant 0 : i32
      %cond3A_193 = arith.cmpi ne, %convert_element_type3A_191, %cond3A_192 : i32
      scf.if %cond3A_193 {
        %dma_start3A_217 = arith.constant 2 : i32
        %dma_start3A_218 = arith.constant 2 : i32
        %dma_start3A_219 = arith.constant 0 : i32
        %dma_start3A_220 = arith.constant 0 : i32
        %dma_start3A_221 = tpu.memref_slice %arg7[%dma_start3A_217, %dma_start3A_219, %dma_start3A_220] : memref<4x2x4096xi32, #tpu.memory_space<vmem>> -> memref<1x2x4096xi32, #tpu.memory_space<vmem>>
        %dma_start3A_222 = tpu.memref_squeeze %dma_start3A_221 : memref<1x2x4096xi32, #tpu.memory_space<vmem>> -> memref<2x4096xi32, #tpu.memory_space<vmem>>
        %dma_start3A_223 = arith.constant 0 : i32
        %dma_start3A_224 = arith.constant 0 : i32
        %dma_start3A_225 = tpu.memref_slice %arg3[%add3A_188, %dma_start3A_223, %dma_start3A_224] : memref<128x2x4096xi32, #tpu.memory_space<hbm>> -> memref<1x2x4096xi32, #tpu.memory_space<hbm>>
        %dma_start3A_226 = tpu.memref_squeeze %dma_start3A_225 : memref<1x2x4096xi32, #tpu.memory_space<hbm>> -> memref<2x4096xi32, #tpu.memory_space<hbm>>
        %dma_start3A_227 = tpu.memref_slice %arg8[%dma_start3A_218] : memref<5x!tpu.dma_semaphore, #tpu.memory_space<semaphore_mem>> -> memref<1x!tpu.dma_semaphore, #tpu.memory_space<semaphore_mem>>
        %dma_start3A_228 = tpu.memref_squeeze %dma_start3A_227 : memref<1x!tpu.dma_semaphore, #tpu.memory_space<semaphore_mem>> -> memref<!tpu.dma_semaphore, #tpu.memory_space<semaphore_mem>>
        %dma_start3A_229 = arith.constant 0 : i32
        %dma_start3A_230 = arith.constant 0 : i32
        %dma_start3A_231 = tpu.memref_slice %arg7[%dma_start3A_217, %dma_start3A_229, %dma_start3A_230] : memref<4x2x4096xi32, #tpu.memory_space<vmem>> -> memref<1x2x4096xi32, #tpu.memory_space<vmem>>
        %dma_start3A_232 = tpu.memref_squeeze %dma_start3A_231 : memref<1x2x4096xi32, #tpu.memory_space<vmem>> -> memref<2x4096xi32, #tpu.memory_space<vmem>>
        %dma_start3A_233 = arith.constant 0 : i32
        %dma_start3A_234 = arith.constant 0 : i32
        %dma_start3A_235 = tpu.memref_slice %arg3[%add3A_188, %dma_start3A_233, %dma_start3A_234] : memref<128x2x4096xi32, #tpu.memory_space<hbm>> -> memref<1x2x4096xi32, #tpu.memory_space<hbm>>
        %dma_start3A_236 = tpu.memref_squeeze %dma_start3A_235 : memref<1x2x4096xi32, #tpu.memory_space<hbm>> -> memref<2x4096xi32, #tpu.memory_space<hbm>>
        tpu.enqueue_dma source(%dma_start3A_236 : memref<2x4096xi32, #tpu.memory_space<hbm>>) target(%dma_start3A_232 : memref<2x4096xi32, #tpu.memory_space<vmem>>) target_semaphore(%dma_start3A_228 : memref<!tpu.dma_semaphore, #tpu.memory_space<semaphore_mem>>)
      } else {
      }
      %dma_wait3A_194 = arith.constant 3 : i32
      %dma_wait3A_195 = arith.constant 3 : i32
      %dma_wait3A_196 = arith.constant 0 : i32
      %dma_wait3A_197 = arith.constant 0 : i32
      %dma_wait3A_198 = tpu.memref_slice %arg7[%dma_wait3A_194, %dma_wait3A_196, %dma_wait3A_197] : memref<4x2x4096xi32, #tpu.memory_space<vmem>> -> memref<1x2x4096xi32, #tpu.memory_space<vmem>>
      %dma_wait3A_199 = tpu.memref_squeeze %dma_wait3A_198 : memref<1x2x4096xi32, #tpu.memory_space<vmem>> -> memref<2x4096xi32, #tpu.memory_space<vmem>>
      %dma_wait3A_200 = arith.constant 0 : i32
      %dma_wait3A_201 = arith.constant 0 : i32
      %dma_wait3A_202 = tpu.memref_slice %arg3[%add3A_186, %dma_wait3A_200, %dma_wait3A_201] : memref<128x2x4096xi32, #tpu.memory_space<hbm>> -> memref<1x2x4096xi32, #tpu.memory_space<hbm>>
      %dma_wait3A_203 = tpu.memref_squeeze %dma_wait3A_202 : memref<1x2x4096xi32, #tpu.memory_space<hbm>> -> memref<2x4096xi32, #tpu.memory_space<hbm>>
      %dma_wait3A_204 = tpu.memref_slice %arg8[%dma_wait3A_195] : memref<5x!tpu.dma_semaphore, #tpu.memory_space<semaphore_mem>> -> memref<1x!tpu.dma_semaphore, #tpu.memory_space<semaphore_mem>>
      %dma_wait3A_205 = tpu.memref_squeeze %dma_wait3A_204 : memref<1x!tpu.dma_semaphore, #tpu.memory_space<semaphore_mem>> -> memref<!tpu.dma_semaphore, #tpu.memory_space<semaphore_mem>>
      %dma_wait3A_206 = arith.constant 0 : i32
      %dma_wait3A_207 = arith.constant 0 : i32
      %dma_wait3A_208 = tpu.memref_slice %arg7[%dma_wait3A_194, %dma_wait3A_206, %dma_wait3A_207] : memref<4x2x4096xi32, #tpu.memory_space<vmem>> -> memref<1x2x4096xi32, #tpu.memory_space<vmem>>
      %dma_wait3A_209 = tpu.memref_squeeze %dma_wait3A_208 : memref<1x2x4096xi32, #tpu.memory_space<vmem>> -> memref<2x4096xi32, #tpu.memory_space<vmem>>
      %dma_wait3A_210 = arith.constant 0 : i32
      %dma_wait3A_211 = arith.constant 0 : i32
      %dma_wait3A_212 = tpu.memref_slice %arg3[%add3A_186, %dma_wait3A_210, %dma_wait3A_211] : memref<128x2x4096xi32, #tpu.memory_space<hbm>> -> memref<1x2x4096xi32, #tpu.memory_space<hbm>>
      %dma_wait3A_213 = tpu.memref_squeeze %dma_wait3A_212 : memref<1x2x4096xi32, #tpu.memory_space<hbm>> -> memref<2x4096xi32, #tpu.memory_space<hbm>>
      tpu.wait_dma2 semaphore(%dma_wait3A_205 : memref<!tpu.dma_semaphore, #tpu.memory_space<semaphore_mem>>) src(%dma_wait3A_213 : memref<2x4096xi32, #tpu.memory_space<hbm>>) dst(%dma_wait3A_209 : memref<2x4096xi32, #tpu.memory_space<vmem>>)
      %parallel_loop3A_214 = arith.constant 0 : i32
      %parallel_loop3A_215 = arith.constant 256 : i32
      %parallel_loop3A_216 = arith.constant 1 : i32
      scf.for %parallel_loop3A_217 = %parallel_loop3A_214 to %parallel_loop3A_215 step %parallel_loop3A_216  : i32 {
        %parallel_loop3A_218 = arith.constant 16 : i32
        %parallel_loop3A_219 = arith.muli %parallel_loop3A_217, %parallel_loop3A_218 : i32
        %parallel_loop3A_220 = arith.constant 3 : i32
        %parallel_loop3A_221 = arith.constant 0 : i32
        %parallel_loop3A_222 = arith.index_cast %parallel_loop3A_220 : i32 to index
        %parallel_loop3A_223 = arith.index_cast %parallel_loop3A_221 : i32 to index
        %parallel_loop3A_224 = arith.index_cast %parallel_loop3A_219 : i32 to index
        %parallel_loop3A_225 = tpu.vector_load %arg7[%parallel_loop3A_222, %parallel_loop3A_223, %parallel_loop3A_224] {strides = array<i32>} : memref<4x2x4096xi32, #tpu.memory_space<vmem>>, vector<16xi32>,
        %parallel_loop3A_226 = arith.andi %parallel_loop3A_225, %broadcast_in_dim3A_80 : vector<16xi32>
        %parallel_loop3A_227 = arith.constant 14 : i32
        %parallel_loop3A_228 = vector.broadcast %parallel_loop3A_227 : i32 to vector<16xi32>
        %parallel_loop3A_229 = arith.shrui %parallel_loop3A_225, %parallel_loop3A_228 : vector<16xi32>
        %parallel_loop3A_230 = arith.constant 3 : i32
        %parallel_loop3A_231 = arith.constant 1 : i32
        %parallel_loop3A_232 = arith.index_cast %parallel_loop3A_230 : i32 to index
        %parallel_loop3A_233 = arith.index_cast %parallel_loop3A_231 : i32 to index
        %parallel_loop3A_234 = arith.index_cast %parallel_loop3A_219 : i32 to index
        %parallel_loop3A_235 = tpu.vector_load %arg7[%parallel_loop3A_232, %parallel_loop3A_233, %parallel_loop3A_234] {strides = array<i32>} : memref<4x2x4096xi32, #tpu.memory_space<vmem>>, vector<16xi32>,
        %parallel_loop3A_236 = vector.bitcast %parallel_loop3A_235 : vector<16xi32> to vector<16xf32>
        %parallel_loop3A_237 = tpu.vector_load_idx %arg5[%parallel_loop3A_226] : memref<16384xi32, #tpu.memory_space<vmem>>[vector<16xi32>], vector<16xi32>,
        %parallel_loop3A_238 = vector.bitcast %parallel_loop3A_237 : vector<16xi32> to vector<32xbf16>
        %parallel_loop3A_239 = tpu.unpack_subelements %parallel_loop3A_238, 0 {pack_format = #tpu.pack_format<interleaved>} : vector<32xbf16> -> vector<16xf32>
        %parallel_loop3A_240 = tpu.unpack_subelements %parallel_loop3A_238, 1 {pack_format = #tpu.pack_format<interleaved>} : vector<32xbf16> -> vector<16xf32>
        %parallel_loop3A_241 = arith.mulf %parallel_loop3A_239, %parallel_loop3A_236 : vector<16xf32>
        tpu.vector_store_idx %arg6[%parallel_loop3A_229], %parallel_loop3A_241 {add = true} : memref<65536xf32, #tpu.memory_space<vmem>>[vector<16xi32>], vector<16xf32>,
        %parallel_loop3A_242 = arith.constant 32768 : i32
        %parallel_loop3A_243 = vector.broadcast %parallel_loop3A_242 : i32 to vector<16xi32>
        %parallel_loop3A_244 = arith.addi %parallel_loop3A_229, %parallel_loop3A_243 : vector<16xi32>
        %parallel_loop3A_245 = arith.mulf %parallel_loop3A_240, %parallel_loop3A_236 : vector<16xf32>
        tpu.vector_store_idx %arg6[%parallel_loop3A_244], %parallel_loop3A_245 {add = true} : memref<65536xf32, #tpu.memory_space<vmem>>[vector<16xi32>], vector<16xf32>,
      } {sc.loop_unroll_factor = 8 : i64, sc.parallel_access}
    }
    %scan3A_84 = arith.constant 32 : i32
    %mul3A_85 = arith.constant 32768 : i32
    %mul3A_86 = arith.muli %mul3A_2, %mul3A_85 : i32
    "tpu.region"() ({
      %run_scoped3A = tpu.sem_alloc : memref<!tpu.dma_semaphore, #tpu.memory_space<semaphore_mem>>
      %dma_start3A_87 = tpu.memref_slice %arg4[%mul3A_86] : memref<2097152xf32, #tpu.memory_space<hbm>> -> memref<65536xf32, #tpu.memory_space<hbm>>
      %dma_start3A_88 = tpu.memref_slice %arg4[%mul3A_86] : memref<2097152xf32, #tpu.memory_space<hbm>> -> memref<65536xf32, #tpu.memory_space<hbm>>
      tpu.enqueue_dma source(%arg6 : memref<65536xf32, #tpu.memory_space<vmem>>) target(%dma_start3A_88 : memref<65536xf32, #tpu.memory_space<hbm>>) target_semaphore(%run_scoped3A : memref<!tpu.dma_semaphore, #tpu.memory_space<semaphore_mem>>)
      %dma_wait3A_89 = tpu.memref_slice %arg4[%mul3A_86] : memref<2097152xf32, #tpu.memory_space<hbm>> -> memref<65536xf32, #tpu.memory_space<hbm>>
      %dma_wait3A_90 = tpu.memref_slice %arg4[%mul3A_86] : memref<2097152xf32, #tpu.memory_space<hbm>> -> memref<65536xf32, #tpu.memory_space<hbm>>
      tpu.wait_dma2 semaphore(%run_scoped3A : memref<!tpu.dma_semaphore, #tpu.memory_space<semaphore_mem>>) src(%arg6 : memref<65536xf32, #tpu.memory_space<vmem>>) dst(%dma_wait3A_90 : memref<65536xf32, #tpu.memory_space<hbm>>)
      tpu.yield
    }) : () -> ()
    return
  }
}

</mosaic_0001>

<sc_bundles>
// kernel: kernel.3.cloned.1.call-start
scs
__scs_entry_jumppad:
0x0: {  	(pc) =	sbr.rel $0x88, $3  }
0x1: {  	(tag) =	ssettag $0x0;
	lr =	simm.s32 $0x1  }
0x2: {  	[smem:$0x3F9D] =	sst lr;
	_ =	strace $0xD0000000  }
0x3: {  	_ = 	snop  }
0x4: {  	_ = 	snop  }
0x5: {  	_ = 	snop  }
0x6: {  	_ = 	snop  }
0x7: {  	_ = 	snop  }
__scs_overlays_trampoline_lowered:
0x8: {  	[smem:$0x3FAC] =	sst s0  }
0x9: {  	[smem:$0x3FAD] =	sst s1  }
0xa: {  	[smem:$0x3FAE] =	sst s2  }
0xb: {  	[smem:$0x3FAF] =	sst s3  }
0xc: {  	[smem:$0x3FB0] =	sst s4  }
0xd: {  	[smem:$0x3FB1] =	sst s5  }
0xe: {  	[smem:$0x3FB2] =	sst s6  }
0xf: {  	[smem:$0x3FB3] =	sst s7  }
0x10: {  	[smem:$0x3FB4] =	sst s8  }
0x11: {  	[smem:$0x3FB5] =	sst s9;
	s0 =	simm.s32 @!p0 $0x0  }
0x12: {  	s1 =	sld [smem:$0x3F9B];
	s0 =	simm.s32 @p0 $0x1  }
0x13: {  	[smem:$0x3FB6] =	sst s0;
	s0 =	simm.s32 @!p1 $0x0  }
0x14: {  	s2 =	sld [smem:$0x3F9A];
	s0 =	simm.s32 @p1 $0x1  }
0x15: {  	[smem:$0x3FB7] =	sst s0;
	s0 =	simm.s32 @!p2 $0x0  }
0x16: {  	s3 =	sld [smem:$0x3FDB];
	s0 =	simm.s32 @p2 $0x1  }
0x17: {  	s4 =	simm.s32 $0x1BF5;
	[smem:$0x3FB9] =	sst s0  }
0x18: {  	s0 =	sld [smem:$0x3F9C];
	_ =	swait.ge [sflag:s4], $0x0  }
0x19: {  	s7 =	sld [smem:$0x3F9D]  }
0x1a: {  	s8 =	sadd.s32 $0xFFFFE003, lr  }
0x1b: {  	s9 =	sadd.s32 $0xFFFFFEF7, lr;
	s5 =	simm.s32 $0xFFFFFFFF;
	p2 =	slt.u32 s8, $0xFFFFF086  }
0x1c: {  	p1 =	slt.u32 s9, $0xF7A;
	s5 =	simm.s32 @!p2 $0x0  }
0x1d: {  	s5 =	simm.s32 @p1 $0x1;
	p0 =	seq.s32 s7, s2  }
0x1e: {  	s7 =	smul.u32 @!p0 $0xF7A, s2;
	p2 =	seq.s32 @!p0 s5, $0x0  }
0x1f: {  	s9 =	smul.u32 $0xF7A, s1;
	s8 =	simm.s32 @!p0 $0x1BF5;
	p2 =	por !p2, p0  }
0x20: {  	[sflag:s8] =	ssyncset.s32 @!p0 $0xFFFFF086;
	s6 =	sadd.s32 @!p0 s3, s7;
	s7 =	simm.s32 @!p0 $0x108  }
0x21: {  	s3 =	sadd.s32 s3, s9;
	s6 =	sadd.s32 @!p0 $0x88, s6;
	s7 =	simm.s32 @p2 $0x1082  }
0x22: {  	[simem:s7], [sflag:s8] =	dma.local @!p0 [hbm:s6], $0xF7A  }
0x23: {  	s9 =	sor.u32 $0xD0000000, s2;
	s6 =	simm.s32 $0x108;
	_ =	swait.ge @!p0 [sflag:s8], $0x0  }
0x24: {  	s3 =	sadd.s32 $0x88, s3;
	s6 =	simm.s32 @!p1 $0x1082;
	[sflag:s4] =	ssyncset.s32 $0xFFFFF086  }
0x25: {  	[simem:s6], [sflag:s4] =	dma.local [hbm:s3], $0xF7A  }
0x26: {  	[smem:$0x3F9D] =	sst s1;
	(tag) =	ssettag s2;
	_ =	strace s9  }
0x27: {  	s1 =	sld [smem:$0x3FAD]  }
0x28: {  	s2 =	sld [smem:$0x3FAE]  }
0x29: {  	s4 =	sld [smem:$0x3FB0]  }
0x2a: {  	p0 =	seq.s32 s5, $0x0;
	s5 =	sld [smem:$0x3FB1]  }
0x2b: {  	s6 =	sld [smem:$0x3FB2]  }
0x2c: {  	s7 =	sld [smem:$0x3FB3]  }
0x2d: {  	s3 =	simm.s32 $0x108;
	s8 =	sld [smem:$0x3FB4]  }
0x2e: {  	s3 =	simm.s32 @!p0 $0x1082;
	s9 =	sld [smem:$0x3FB5]  }
0x2f: {  	lr =	sadd.s32 s0, s3;
	s0 =	sld [smem:$0x3FAC]  }
0x30: {  	s3 =	sld [smem:$0x3FAF]  }
0x31: {  	[smem:$0x3FB8] =	sst s10  }
0x32: {  	s10 =	sld [smem:$0x3FB6];
	_ =	sdelay $0x3  }
0x33: {  	p0 =	seq.s32 s10, $0x1;
	s10 =	sld [smem:$0x3FB8];
	_ =	sdelay $0x3  }
0x34: {  	[smem:$0x3FB8] =	sst s10  }
0x35: {  	s10 =	sld [smem:$0x3FB7];
	_ =	sdelay $0x3  }
0x36: {  	p1 =	seq.s32 s10, $0x1;
	s10 =	sld [smem:$0x3FB8];
	_ =	sdelay $0x3  }
0x37: {  	[smem:$0x3FB8] =	sst s10  }
0x38: {  	s10 =	sld [smem:$0x3FB9]  }
0x39: {  	_ = 	snop;
	(pc) =	sbr.ind lr, $3  }
0x3a: {  	_ = 	snop  }
0x3b: {  	_ = 	snop  }
0x3c: {  	p2 =	seq.s32 s10, $0x1;
	s10 =	sld [smem:$0x3FB8]  }
0x3d: {  	_ =	shalt  }
0x3e: {  	_ =	shalt  }
0x3f: {  	_ =	shalt  }
0x40: {  	_ =	shalt  }
0x41: {  	_ =	shalt  }
0x42: {  	_ =	shalt  }
0x43: {  	_ =	shalt  }
0x44: {  	_ =	shalt  }
0x45: {  	_ =	shalt  }
0x46: {  	_ =	shalt  }
0x47: {  	_ =	shalt  }
0x48: {  	_ =	shalt  }
0x49: {  	_ =	shalt  }
0x4a: {  	_ =	shalt  }
0x4b: {  	_ =	shalt  }
0x4c: {  	_ =	shalt  }
0x4d: {  	_ =	shalt  }
0x4e: {  	_ =	shalt  }
0x4f: {  	_ =	shalt  }
0x50: {  	_ =	shalt  }
0x51: {  	_ =	shalt  }
0x52: {  	_ =	shalt  }
0x53: {  	_ =	shalt  }
0x54: {  	_ =	shalt  }
0x55: {  	_ =	shalt  }
0x56: {  	_ =	shalt  }
0x57: {  	_ =	shalt  }
0x58: {  	_ =	shalt  }
0x59: {  	_ =	shalt  }
0x5a: {  	_ =	shalt  }
0x5b: {  	_ =	shalt  }
0x5c: {  	_ =	shalt  }
0x5d: {  	_ =	shalt  }
0x5e: {  	_ =	shalt  }
0x5f: {  	_ =	shalt  }
0x60: {  	_ =	shalt  }
0x61: {  	_ =	shalt  }
0x62: {  	_ =	shalt  }
0x63: {  	_ =	shalt  }
0x64: {  	_ =	shalt  }
0x65: {  	_ =	shalt  }
0x66: {  	_ =	shalt  }
0x67: {  	_ =	shalt  }
0x68: {  	_ =	shalt  }
0x69: {  	_ =	shalt  }
0x6a: {  	_ =	shalt  }
0x6b: {  	_ =	shalt  }
0x6c: {  	_ =	shalt  }
0x6d: {  	_ =	shalt  }
0x6e: {  	_ =	shalt  }
0x6f: {  	_ =	shalt  }
0x70: {  	_ =	shalt  }
0x71: {  	_ =	shalt  }
0x72: {  	_ =	shalt  }
0x73: {  	_ =	shalt  }
0x74: {  	_ =	shalt  }
0x75: {  	_ =	shalt  }
0x76: {  	_ =	shalt  }
0x77: {  	_ =	shalt  }
0x78: {  	_ =	shalt  }
0x79: {  	_ =	shalt  }
0x7a: {  	_ =	shalt  }
0x7b: {  	_ =	shalt  }
0x7c: {  	_ =	shalt  }
0x7d: {  	_ =	shalt  }
0x7e: {  	_ =	shalt  }
0x7f: {  	_ =	shalt  }
0x80: {  	_ =	shalt  }
0x81: {  	_ =	shalt  }
0x82: {  	_ =	shalt  }
0x83: {  	_ =	shalt  }
0x84: {  	_ =	shalt  }
0x85: {  	_ =	shalt  }
0x86: {  	_ =	shalt  }
0x87: {  	_ =	shalt  }
.Lfunc_end0:
.L_simem_size_0:
called_computation_lowered:
.L_overlay_start_0:
0x88: {  	s2 =	sld [smem:$0x3FD9]  }
0x89: {  	s3 =	sld [smem:$0x3FFE];
	_ =	sdelay $0x1  }
0x8a: {  	s1 =	srdreg.scid  }
0x8b: {  	s0 =	sand.u32 $0x1, s1  }
0x8c: {  	s17 =	sshll.u32 s0, $0xA;
	s2 =	sadd.s32 s3, s2  }
0x8d: {  	s2 =	sadd.s32 s2, s17  }
0x8e: {  	[smem:$0x3FC4] =	sst s2  }
0x8f: {  	_ = 	snop  }
0x90: {  	s2 =	sld [smem:$0x3FD0];
	(tm) =	ssettm $0x1  }
0x91: {  	s18 =	sld [smem:$0x3FFB];
	_ =	sdelay $0x3  }
0x92: {  	_ =	strace s18  }
0x93: {  	s3 =	sld [smem:$0x3FFC];
	_ =	sdelay $0x3  }
0x94: {  	_ =	strace s3  }
0x95: {  	s3 =	sld [smem:$0x3FFD];
	_ =	sdelay $0x3  }
0x96: {  	_ =	strace s3  }
0x97: {  	_ =	strace $0x8FFFFFFF  }
0x98: {  	s19 =	sld [smem:$0x3FDB];
	_ =	sdelay $0x1  }
0x99: {  	s4 =	simm.s32 $_scs_section_size  }
0x9a: {  	s5 =	simm.s32 $_size__tile_overlayer_lowered;
	s6 =	simm.s32 $_tile_overlayer_lowered  }
0x9b: {  	s22 =	simm.s32 $0x1BFF;
	s21 =	sshll.u32 s6, $0x1;
	s3 =	sadd.s32 s4, s19  }
0x9c: {  	s7 =	simm.s32 $0x0;
	s20 =	sshll.u32 s5, $0x1;
	s5 =	sadd.s32 s21, s3  }
0x9d: {  	[timem:s7], [sflag:s22] =	dma.local [hbm:s5], s20  }
0x9e: {  	_ =	swait.ge [sflag:s22], s20  }
0x9f: {  	s4 =	ssub.s32 $0x0, s20;
	[sflag:s22] =	ssyncset.done $0x0  }
0xa0: {  	[sflag:s22] =	ssyncadd.s32 s4;
	_ =	sdelay $0x1  }
0xa1: {  	s23 =	simm.s32 $0x1B8B  }
0xa2: {  	_ =	swait.ge [sflag:s23], $0x1  }
0xa3: {  	[sflag:s23] =	ssyncset.done $0x0  }
0xa4: {  	s25 =	simm.s32 $0x1B8E;
	s24 =	sld [smem:$0x3FFE];
	[sflag:s23] =	ssyncadd.s32 $0xFFFFFFFF  }
0xa5: {  	s26 =	simm.s32 $execute0_lowered;
	[smem:$0x3FD2] =	sst s25  }
0xa6: {  	s5 =	sshll.u32 s26, $0x1;
	_ =	strace $0x80000046;
	[dreg:$0x1] =	wrdreg $0xFFFFFFFF  }
0xa7: {  	s28 =	simm.s32 $_size_execute0_lowered;
	s3 =	sadd.s32 s3, s5;
	[dreg:$0x0] =	wrdreg $0x0  }
0xa8: {  	s5 =	sshll.u32 s28, $0x1;
	[dreg:$0x2] =	wrdreg s3  }
0xa9: {  	[dreg:$0x3] =	wrdreg s5  }
0xaa: {  	[dreg:$0x4] =	wrdreg $0xC0  }
0xab: {  	_ =	task [dreg:s7], $0x5FFFF  }
0xac: {  	[dreg:$0x1] =	wrdreg $0xFFFFFFFF  }
0xad: {  	[dreg:$0x0] =	wrdreg $0x60  }
0xae: {  	[dreg:$0x2] =	wrdreg s24  }
0xaf: {  	[dreg:$0x3] =	wrdreg s2  }
0xb0: {  	[dreg:$0x4] =	wrdreg $0x9  }
0xb1: {  	_ =	task.clear_ibuf [dreg:s7], $0x5FFFF;
	_ =	strace $0x90000046  }
0xb2: {  	s29 =	simm.s32 $0x9;
	_ =	strace $0x80000048  }
0xb3: {  	_ =	swait.ge [sflag:s29], $0x1  }
0xb4: {  	[sflag:s29] =	ssyncadd.s32 $0xFFFFFFFF  }
0xb5: {  	_ =	strace $0x90000048  }
0xb6: {  	_ =	sfence  }
0xb7: {  	s30 =	sld [smem:$0x0];
	_ =	sdelay $0x2  }
0xb8: {  	s31 =	sshll.u32 s1, $0xD;
	s1 =	sshrl.u32 s1, $0x2  }
0xb9: {  	s3 =	sand.u32 $0x4000, s31;
	s1 =	sadd.s32 s1, s30  }
0xba: {  	s0 =	sor.u32 s3, s0;
	s1 =	sshll.u32 s1, $0x11  }
0xbb: {  	s0 =	sor.u32 s1, s0  }
0xbc: {  	s0 =	sadd.s32 $0x8F2B, s0  }
0xbd: {  	[sflag:s0] =	ssyncadd.remote.s32 $0x1  }
0xbe: {  	_ =	sfence.sel $0xFFFF  }
0xbf: {  	[dreg:$0x0] =	wrdreg $0xFFFFFFFF;
	(pc) =	sbr.abs _section_cstart, $3  }
0xc0: {  	[dreg:$0x1] =	wrdreg $0xFFFFFFFF  }
0xc1: {  	_ =	task.clear_ibuf [dreg:s7], $0x2FFFF;
	_ =	strace $0x9FFFFFFF  }
0xc2: {  	(tm) =	ssettm $0x7FFFFFFF  }
0xc3: {  	_ =	shalt  }
tec
execute0_lowered:
.L_overlay_start_1:
0x0: {  	(tag) =	ssettag $0x1  }
0x1: {  	s4 =	rddreg [dreg:$0x0]  }
0x2: {  	s2 =	rddreg [dreg:$0x1]  }
0x3: {  	s0 =	rddreg [dreg:$0x2]  }
0x4: {  	s3 =	simm.s32 $0x0;
	s5 =	srdreg.scid;
	s1 =	stileid.u32  }
0x5: {  	s13 =	simm.s32 $0x14000;
	s14 =	simm.s32 $0x16000;
	s15 =	simm.s32 $0x18000  }
0x6: {  	s16 =	simm.s32 $0x5;
	s17 =	simm.s32 $0x1A000;
	s18 =	simm.s32 $0x1  }
0x7: {  	s19 =	simm.s32 $0x4000;
	s20 =	simm.s32 $0x2;
	s21 =	simm.s32 $0x3  }
0x8: {  	s22 =	simm.s32 $0x4;
	s23 =	simm.s32 $0x6;
	s24 =	simm.s32 $0x0  }
0x9: {  	[smem:$0x7FF] =	sst s3;
	s5 =	sand.u32 $0x1, s5;
	s6 =	sshll.u32 s1, $0x1  }
0xa: {  	s9 =	sadd.s32 $0x1400, s2;
	s10 =	sadd.s32 $0x1800, s2;
	s6 =	sor.u32 s5, s6  }
0xb: {  	_ =	strace $0x80000047;
	s5 =	ssub.s32 $0x2, s5;
	s7 =	sshll.u32 s6, $0xB  }
0xc: {  	s6 =	sshll.u32 s6, $0xD;
	s8 =	sshrl.u32 s5, $0x1;
	s7 =	sadd.s32 s7, s4  }
0xd: {  	s11 =	sadd.s32 s6, s4;
	s12 =	ssub.s32 s5, s8;
	s5 =	sadd.s32 $0x400, s2  }
0xe: {  	s6 =	sadd.s32 $0x800, s2;
	s8 =	sadd.s32 $0x1000, s2;
	s4 =	sadd.s32 $0xA00, s7  }
0xf: {  	v0 =	vimm.f32 $0.0e+00;
	s7 =	sadd.s32 $0xC00, s2;
	s11 =	sadd.s32 $0x10A00, s11;
	s12 =	smax.u32 s12, $0x1  }
.LBB2_1:
0x10: {  	[tilespmem:s3], [sflag:$0x5] =	stream.linear.gather [hbm4b:s4+s3], $0x4000, $0x38;
	[tilespmem:$0x1C000] =	vst v63  }
0x11: {  	_ = 	snop  }
0x12: {  	[tilespmem:s13], [sflag:$0x1] =	stream.linear.gather [hbm4b:s2+s3], $0x2000, $0x38;
	[tilespmem:$0x1C000] =	vst v63  }
0x13: {  	_ = 	snop  }
0x14: {  	[tilespmem:s14], [sflag:$0x2] =	stream.linear.gather [hbm4b:s5+s3], $0x2000, $0x38;
	[tilespmem:$0x1C000] =	vst v63  }
0x15: {  	s25 =	simm.s32 $0x4040  }
0x16: {  	[tilespmem:s15], [sflag:$0x3] =	stream.linear.gather [hbm4b:s6+s3], $0x2000, $0x38;
	[tilespmem:$0x1C000] =	vst v63  }
0x17: {  	[tilespmem:s25+$0xFFFFFFC0] =	vst v0  }
0x18: {  	[tilespmem:s25+$0x30] =	vst v0  }
0x19: {  	[tilespmem:s25+$0x20] =	vst v0  }
0x1a: {  	[tilespmem:s25+$0x10] =	vst v0  }
0x1b: {  	[tilespmem:s25+$0x0] =	vst v0  }
0x1c: {  	[tilespmem:s25+$0xFFFFFFF0] =	vst v0  }
0x1d: {  	s26 =	simm.s32 $0x0;
	[tilespmem:s25+$0xFFFFFFE0] =	vst v0  }
.LBB2_2:
0x1e: {  	s26 =	sadd.s32 $0x8, s26;
	[tilespmem:s25+$0xFFFFFFD0] =	vst v0;
	s25 =	sadd.s32 $0x80, s25  }
0x1f: {  	[tilespmem:s25+$0xFFFFFFC0] =	vst v0;
	p0 =	slt.u32 s26, $0xFF8  }
0x20: {  	[tilespmem:s25+$0x30] =	vst v0  }
.Ltmp0:
0x21: {  	[tilespmem:s25+$0x20] =	vst v0;
	(pc) =	sbr.rel @p0 .LBB2_2-.Ltmp0, $4  }
0x22: {  	[tilespmem:s25+$0x10] =	vst v0  }
0x23: {  	[tilespmem:s25+$0x0] =	vst v0  }
0x24: {  	[tilespmem:s25+$0xFFFFFFF0] =	vst v0  }
0x25: {  	[tilespmem:s25+$0xFFFFFFE0] =	vst v0  }
0x26: {  	[tilespmem:s25+$0xFFFFFFD0] =	vst v0  }
0x27: {  	_ =	swait.ge [sflag:s16], $0x4000  }
0x28: {  	[sflag:s16] =	ssyncset.done $0x0  }
0x29: {  	s25 =	simm.s32 $0x0;
	[sflag:s16] =	ssyncadd.s32 $0xFFFFC000  }
.LBB2_4:
0x2a: {  	s26 =	sshll.u32 s25, $0xC  }
0x2b: {  	s28 =	sadd.s32 s26, s7  }
0x2c: {  	[tilespmem:s17], [sflag:$0x4] =	stream.linear.gather [hbm4b:s28+s3], $0x2000, $0x38;
	[tilespmem:$0x1C000] =	vst v63  }
0x2d: {  	_ =	swait.ge [sflag:s18], $0x2000  }
0x2e: {  	[sflag:s18] =	ssyncset.done $0x0  }
0x2f: {  	s28 =	simm.s32 $0x14080;
	[sflag:s18] =	ssyncadd.s32 $0xFFFFE000  }
0x30: {  	v6 =	vld [tilespmem:s28+$0xFFFFFF80]  }
0x31: {  	v8 =	vld [tilespmem:s28+$0xFFFFFFF0]  }
0x32: {  	v1 =	vld [tilespmem:s28+$0xFFFFFFE0]  }
0x33: {  	v2 =	vld [tilespmem:s28+$0xFFFFFFD0]  }
0x34: {  	v9 =	vld [tilespmem:s28+$0xFFFFFFC0]  }
0x35: {  	v5 =	vld [tilespmem:s28+$0xFFFFFFB0]  }
0x36: {  	v10 =	vld [tilespmem:s28+$0xFFFFFFA0]  }
0x37: {  	v12 =	vld [tilespmem:s28+$0xFFFFFF90]  }
0x38: {  	v7 =	vand.u32 $0x3FFF, v6  }
0x39: {  	v11 =	vand.u32 $0x3FFF, v8;
	v13 =	vand.u32 $0x3FFF, v1  }
0x3a: {  	v15 =	vld [tilespmem:s28+$0x0];
	v14 =	vand.u32 $0x3FFF, v2;
	v16 =	vand.u32 $0x3FFF, v9;
	v3 =	vshrl.u32 v2, $0xE  }
0x3b: {  	v38 =	vld [tilespmem:s28+$0x10];
	v4 =	vshrl.u32 v1, $0xE;
	v1 =	vshrl.u32 v5, $0xE;
	v18 =	vand.u32 $0x3FFF, v5  }
0x3c: {  	v2 =	vshrl.u32 v10, $0xE;
	v20 =	vand.u32 $0x3FFF, v12;
	v29 =	vand.u32 $0x3FFF, v10;
	v10 =	vld [tilespmem:s28+$0x40]  }
0x3d: {  	v35 =	vshrl.u32 v9, $0xE;
	v36 =	vshrl.u32 v6, $0xE;
	v6 =	vshrl.u32 v8, $0xE;
	v17 =	vld.idx.msk [tilespmem:v7+s3+$0x0], $0xffff  }
0x3e: {  	v5 =	vadd.s32 $0x8000, v4;
	v32 =	vand.u32 $0x7F, v1;
	v27 =	vand.u32 $0x7F, v2;
	v19 =	vld.idx.msk [tilespmem:v11+s3+$0x0], $0xffff  }
0x3f: {  	v28 =	vadd.s32 $0x8000, v2;
	v30 =	vand.u32 $0x7F, v36;
	v8 =	vadd.s32 $0x8000, v6;
	v21 =	vld.idx.msk [tilespmem:v13+s3+$0x0], $0xffff  }
0x40: {  	v5 =	vand.u32 $0x7FF80, v5;
	v7 =	vadd.s32 $0x8000, v1;
	v25 =	vld.idx.msk [tilespmem:v16+s3+$0x0], $0xffff;
	v16 =	vadd.s32 $0x8000, v36  }
0x41: {  	v13 =	vld.idx.msk [tilespmem:v18+s3+$0x0], $0xffff;
	v11 =	vand.u32 $0x7F, v3;
	v18 =	vand.u32 $0x7FF80, v8;
	v8 =	vshrl.u32 v12, $0xE  }
0x42: {  	v34 =	vand.u32 $0x7FF80, v7;
	v7 =	vld.idx.msk [tilespmem:v14+s3+$0x0], $0xffff;
	v14 =	vand.u32 $0x7F, v6;
	v12 =	vand.u32 $0x7FF80, v16  }
0x43: {  	v37 =	vld.idx.msk [tilespmem:v20+s3+$0x0], $0xffff;
	v39 =	vadd.s32 $0x8000, v8;
	v33 =	vor.u32 v30, v12;
	v12 =	vand.u32 $0x7FF80, v28  }
0x44: {  	v9 =	vld [tilespmem:s28+$0x20];
	v14 =	vor.u32 v14, v18;
	v28 =	vand.u32 $0x7F, v35;
	v12 =	vor.u32 v27, v12  }
0x45: {  	v29 =	vld.idx.msk [tilespmem:v29+s3+$0x0], $0xffff;
	v26 =	vunpack.i.u.bf16.f32 v17;
	v17 =	vunpack.i.l.bf16.f32 v17;
	v22 =	vunpack.i.u.bf16.f32 v19  }
0x46: {  	v16 =	vld [tilespmem:s28+$0x50];
	v20 =	vunpack.i.l.bf16.f32 v19;
	v19 =	vunpack.i.u.bf16.f32 v21;
	v24 =	vunpack.i.l.bf16.f32 v21  }
0x47: {  	v30 =	vld [tilespmem:s28+$0x70];
	v21 =	vunpack.i.l.bf16.f32 v25;
	v18 =	vunpack.i.u.bf16.f32 v25;
	v25 =	vunpack.i.l.bf16.f32 v13  }
0x48: {  	v40 =	vunpack.i.l.bf16.f32 v37;
	v31 =	vmul.f32 v26, v15;
	v21 =	vmul.f32 v21, v10;
	v26 =	vld [tilespmem:s28+$0x60]  }
0x49: {  	v27 =	vld [tilespmem:s28+$0x30];
	v23 =	vunpack.i.l.bf16.f32 v7;
	v41 =	vmul.f32 v17, v15;
	v15 =	vunpack.i.u.bf16.f32 v37  }
0x4a: {  	v17 =	vmul.f32 v15, v38;
	v15 =	vor.u32 v32, v34;
	[tilespmem:v35+s19+$0x0] =	vst.idx.add.f32.msk $0xffff, v21;
	v35 =	vadd.s32 $0x8000, v35  }
0x4b: {  	s29 =	simm.s32 $0x0;
	v34 =	vand.u32 $0x7FF80, v39;
	v21 =	vmul.f32 v40, v38;
	[tilespmem:v36+s19+$0x0] =	vst.idx.add.f32.msk $0xffff, v41;
	v32 =	vand.u32 $0x7FF80, v35  }
.LBB2_5:
0x4c: {  	s29 =	sadd.s32 $0x8, s29;
	[tilespmem:v33+s19+$0x0] =	vst.idx.add.f32.msk $0xffff, v31;
	v31 =	vand.u32 $0x7F, v8;
	v13 =	vunpack.i.u.bf16.f32 v13;
	v22 =	vmul.f32 v22, v30;
	s28 =	sadd.s32 $0x100, s28  }
0x4d: {  	v7 =	vunpack.i.u.bf16.f32 v7;
	v24 =	vmul.f32 v24, v26;
	v33 =	vld [tilespmem:s28+$0xFFFFFF90];
	p0 =	slt.u32 s29, $0xF8;
	v31 =	vor.u32 v31, v34  }
0x4e: {  	v35 =	vadd.s32 $0x8000, v3;
	v20 =	vmul.f32 v20, v30;
	v34 =	vld [tilespmem:s28+$0xFFFFFFA0];
	v25 =	vmul.f32 v25, v27  }
0x4f: {  	v23 =	vmul.f32 v23, v16;
	v19 =	vmul.f32 v19, v26;
	v35 =	vand.u32 $0x7FF80, v35;
	v30 =	vld [tilespmem:s28+$0xFFFFFFB0]  }
0x50: {  	v13 =	vmul.f32 v13, v27;
	v11 =	vor.u32 v11, v35;
	v36 =	vunpack.i.l.bf16.f32 v29;
	v26 =	vld [tilespmem:s28+$0xFFFFFFC0]  }
0x51: {  	v10 =	vmul.f32 v18, v10;
	v18 =	vor.u32 v28, v32;
	v29 =	vunpack.i.u.bf16.f32 v29;
	v27 =	vld [tilespmem:s28+$0xFFFFFFD0]  }
0x52: {  	v7 =	vmul.f32 v7, v16;
	v32 =	vmul.f32 v36, v9;
	v28 =	vld [tilespmem:s28+$0xFFFFFF80]  }
0x53: {  	v9 =	vmul.f32 v29, v9;
	v29 =	vand.u32 $0x7F, v4;
	v16 =	vld [tilespmem:s28+$0xFFFFFFE0]  }
0x54: {  	v5 =	vor.u32 v29, v5;
	v35 =	vld [tilespmem:s28+$0xFFFFFFF0]  }
0x55: {  	[tilespmem:v4+s19+$0x0] =	vst.idx.add.f32.msk $0xffff, v24  }
0x56: {  	[tilespmem:v6+s19+$0x0] =	vst.idx.add.f32.msk $0xffff, v20  }
0x57: {  	[tilespmem:v3+s19+$0x0] =	vst.idx.add.f32.msk $0xffff, v23  }
0x58: {  	[tilespmem:v14+s19+$0x0] =	vst.idx.add.f32.msk $0xffff, v22  }
0x59: {  	[tilespmem:v5+s19+$0x0] =	vst.idx.add.f32.msk $0xffff, v19  }
0x5a: {  	[tilespmem:v2+s19+$0x0] =	vst.idx.add.f32.msk $0xffff, v32  }
0x5b: {  	[tilespmem:v8+s19+$0x0] =	vst.idx.add.f32.msk $0xffff, v21  }
0x5c: {  	[tilespmem:v1+s19+$0x0] =	vst.idx.add.f32.msk $0xffff, v25  }
0x5d: {  	[tilespmem:v18+s19+$0x0] =	vst.idx.add.f32.msk $0xffff, v10  }
0x5e: {  	v1 =	vand.u32 $0x3FFF, v28;
	[tilespmem:v11+s19+$0x0] =	vst.idx.add.f32.msk $0xffff, v7  }
0x5f: {  	v6 =	vand.u32 $0x3FFF, v35;
	[tilespmem:v31+s19+$0x0] =	vst.idx.add.f32.msk $0xffff, v17  }
0x60: {  	v7 =	vand.u32 $0x3FFF, v16;
	[tilespmem:v12+s19+$0x0] =	vst.idx.add.f32.msk $0xffff, v9  }
0x61: {  	v8 =	vand.u32 $0x3FFF, v27;
	[tilespmem:v15+s19+$0x0] =	vst.idx.add.f32.msk $0xffff, v13  }
0x62: {  	v3 =	vshrl.u32 v27, $0xE;
	v4 =	vshrl.u32 v16, $0xE;
	v9 =	vand.u32 $0x3FFF, v26;
	v15 =	vld [tilespmem:s28+$0x0]  }
0x63: {  	v5 =	vadd.s32 $0x8000, v4;
	v11 =	vand.u32 $0x3FFF, v30;
	v10 =	vld.idx.msk [tilespmem:v1+s3+$0x0], $0xffff;
	v1 =	vshrl.u32 v30, $0xE  }
0x64: {  	v2 =	vshrl.u32 v34, $0xE;
	v5 =	vand.u32 $0x7FF80, v5;
	v32 =	vand.u32 $0x7F, v1;
	v12 =	vld.idx.msk [tilespmem:v6+s3+$0x0], $0xffff  }
0x65: {  	v14 =	vand.u32 $0x3FFF, v33;
	v17 =	vand.u32 $0x7F, v2;
	v6 =	vadd.s32 $0x8000, v1;
	v16 =	vld.idx.msk [tilespmem:v7+s3+$0x0], $0xffff  }
0x66: {  	v37 =	vshrl.u32 v26, $0xE;
	v21 =	vadd.s32 $0x8000, v2;
	v36 =	vand.u32 $0x7FF80, v6;
	v7 =	vld.idx.msk [tilespmem:v8+s3+$0x0], $0xffff  }
0x67: {  	v29 =	vand.u32 $0x3FFF, v34;
	v38 =	vshrl.u32 v28, $0xE;
	v6 =	vshrl.u32 v35, $0xE;
	v25 =	vld.idx.msk [tilespmem:v9+s3+$0x0], $0xffff  }
0x68: {  	v27 =	vand.u32 $0x7F, v38;
	v18 =	vadd.s32 $0x8000, v38;
	v13 =	vld.idx.msk [tilespmem:v11+s3+$0x0], $0xffff;
	v11 =	vand.u32 $0x7F, v3  }
0x69: {  	v28 =	vand.u32 $0x7F, v6;
	v26 =	vunpack.i.u.bf16.f32 v10;
	v34 =	vunpack.i.l.bf16.f32 v10;
	v10 =	vld [tilespmem:s28+$0x40]  }
0x6a: {  	v8 =	vadd.s32 $0x8000, v6;
	v22 =	vunpack.i.u.bf16.f32 v12;
	v20 =	vunpack.i.l.bf16.f32 v12;
	v35 =	vld.idx.msk [tilespmem:v14+s3+$0x0], $0xffff  }
0x6b: {  	v12 =	vand.u32 $0x7FF80, v8;
	v19 =	vunpack.i.u.bf16.f32 v16;
	v24 =	vunpack.i.l.bf16.f32 v16;
	v9 =	vld [tilespmem:s28+$0x20]  }
0x6c: {  	v8 =	vshrl.u32 v33, $0xE;
	v14 =	vor.u32 v28, v12;
	v23 =	vunpack.i.l.bf16.f32 v7;
	v39 =	vld [tilespmem:s28+$0x10]  }
0x6d: {  	v12 =	vand.u32 $0x7FF80, v18;
	v18 =	vunpack.i.u.bf16.f32 v25;
	v28 =	vunpack.i.l.bf16.f32 v25;
	v16 =	vld [tilespmem:s28+$0x50]  }
0x6e: {  	v31 =	vmul.f32 v26, v15;
	v25 =	vunpack.i.l.bf16.f32 v13;
	v40 =	vmul.f32 v28, v10;
	v26 =	vld [tilespmem:s28+$0x60]  }
.Ltmp1:
0x6f: {  	v41 =	vadd.s32 $0x8000, v8;
	v33 =	vor.u32 v27, v12;
	v12 =	vand.u32 $0x7FF80, v21;
	v30 =	vld [tilespmem:s28+$0x70];
	(pc) =	sbr.rel @p0 .LBB2_5-.Ltmp1, $4  }
0x70: {  	v12 =	vor.u32 v17, v12;
	v28 =	vand.u32 $0x7F, v37;
	v21 =	vunpack.i.l.bf16.f32 v35;
	[tilespmem:v37+s19+$0x0] =	vst.idx.add.f32.msk $0xffff, v40  }
0x71: {  	v34 =	vmul.f32 v34, v15;
	v15 =	vunpack.i.u.bf16.f32 v35;
	v21 =	vmul.f32 v21, v39;
	v27 =	vld [tilespmem:s28+$0x30]  }
0x72: {  	v17 =	vmul.f32 v15, v39;
	v15 =	vor.u32 v32, v36;
	v32 =	vadd.s32 $0x8000, v37;
	v29 =	vld.idx.msk [tilespmem:v29+s3+$0x0], $0xffff  }
0x73: {  	v32 =	vand.u32 $0x7FF80, v32;
	[tilespmem:v38+s19+$0x0] =	vst.idx.add.f32.msk $0xffff, v34;
	v34 =	vand.u32 $0x7FF80, v41  }
0x74: {  	_ =	sdelay $0x3  }
0x75: {  	v24 =	vmul.f32 v24, v26;
	v35 =	vand.u32 $0x7F, v4;
	[tilespmem:v33+s19+$0x0] =	vst.idx.add.f32.msk $0xffff, v31  }
0x76: {  	v20 =	vmul.f32 v20, v30;
	[tilespmem:v8+s19+$0x0] =	vst.idx.add.f32.msk $0xffff, v21;
	v5 =	vor.u32 v35, v5  }
0x77: {  	v23 =	vmul.f32 v23, v16;
	[tilespmem:v4+s19+$0x0] =	vst.idx.add.f32.msk $0xffff, v24  }
0x78: {  	v19 =	vmul.f32 v19, v26;
	v4 =	vmul.f32 v22, v30;
	[tilespmem:v6+s19+$0x0] =	vst.idx.add.f32.msk $0xffff, v20;
	v6 =	vadd.s32 $0x8000, v3  }
0x79: {  	[tilespmem:v3+s19+$0x0] =	vst.idx.add.f32.msk $0xffff, v23;
	v20 =	vunpack.i.l.bf16.f32 v29;
	v3 =	vand.u32 $0x7FF80, v6;
	v6 =	vor.u32 v28, v32  }
0x7a: {  	v20 =	vmul.f32 v20, v9;
	[tilespmem:v14+s19+$0x0] =	vst.idx.add.f32.msk $0xffff, v4;
	v4 =	vand.u32 $0x7F, v8;
	v3 =	vor.u32 v11, v3  }
0x7b: {  	v4 =	vor.u32 v4, v34;
	[tilespmem:v5+s19+$0x0] =	vst.idx.add.f32.msk $0xffff, v19;
	v5 =	vmul.f32 v25, v27  }
0x7c: {  	[tilespmem:v2+s19+$0x0] =	vst.idx.add.f32.msk $0xffff, v20;
	v2 =	vunpack.i.u.bf16.f32 v7;
	v7 =	vmul.f32 v18, v10  }
0x7d: {  	v2 =	vmul.f32 v2, v16;
	[tilespmem:v1+s19+$0x0] =	vst.idx.add.f32.msk $0xffff, v5  }
0x7e: {  	v1 =	vunpack.i.u.bf16.f32 v29;
	[tilespmem:v6+s19+$0x0] =	vst.idx.add.f32.msk $0xffff, v7  }
0x7f: {  	v5 =	vunpack.i.u.bf16.f32 v13;
	v1 =	vmul.f32 v1, v9;
	[tilespmem:v3+s19+$0x0] =	vst.idx.add.f32.msk $0xffff, v2  }
0x80: {  	v2 =	vmul.f32 v5, v27;
	[tilespmem:v4+s19+$0x0] =	vst.idx.add.f32.msk $0xffff, v17  }
0x81: {  	p0 =	seq.s32 s25, $0x1F;
	[tilespmem:v12+s19+$0x0] =	vst.idx.add.f32.msk $0xffff, v1  }
0x82: {  	s28 =	sadd.s32 @!p0 s26, s8;
	s29 =	simm.s32 @!p0 $0x0;
	s30 =	simm.s32 @!p0 $0x14000;
	[tilespmem:v15+s19+$0x0] =	vst.idx.add.f32.msk $0xffff, v2  }
0x83: {  	[tilespmem:s30], [sflag:$0x1] =	stream.linear.gather @!p0 [hbm4b:s28+s29], $0x2000, $0x38;
	[tilespmem:$0x1C000] =	vst v63  }
0x84: {  	_ =	swait.ge [sflag:s20], $0x2000  }
0x85: {  	[sflag:s20] =	ssyncset.done $0x0  }
0x86: {  	s28 =	simm.s32 $0x160F0;
	[sflag:s20] =	ssyncadd.s32 $0xFFFFE000  }
0x87: {  	v6 =	vld [tilespmem:s28+$0xFFFFFF10]  }
0x88: {  	v8 =	vld [tilespmem:s28+$0xFFFFFF80]  }
0x89: {  	v1 =	vld [tilespmem:s28+$0xFFFFFF70]  }
0x8a: {  	v2 =	vld [tilespmem:s28+$0xFFFFFF60]  }
0x8b: {  	v9 =	vld [tilespmem:s28+$0xFFFFFF50]  }
0x8c: {  	v5 =	vld [tilespmem:s28+$0xFFFFFF40]  }
0x8d: {  	v10 =	vld [tilespmem:s28+$0xFFFFFF30]  }
0x8e: {  	v12 =	vld [tilespmem:s28+$0xFFFFFF20];
	_ =	sdelay $0x1  }
0x8f: {  	v7 =	vand.u32 $0x3FFF, v6;
	v11 =	vand.u32 $0x3FFF, v8;
	v13 =	vand.u32 $0x3FFF, v1  }
0x90: {  	v15 =	vld [tilespmem:s28+$0xFFFFFF90];
	v14 =	vand.u32 $0x3FFF, v2;
	v16 =	vand.u32 $0x3FFF, v9;
	v3 =	vshrl.u32 v2, $0xE  }
0x91: {  	v38 =	vld [tilespmem:s28+$0xFFFFFFA0];
	v4 =	vshrl.u32 v1, $0xE;
	v1 =	vshrl.u32 v5, $0xE;
	v18 =	vand.u32 $0x3FFF, v5  }
0x92: {  	v2 =	vshrl.u32 v10, $0xE;
	v20 =	vand.u32 $0x3FFF, v12;
	v29 =	vand.u32 $0x3FFF, v10;
	v10 =	vld [tilespmem:s28+$0xFFFFFFD0]  }
0x93: {  	v63 =	vshrl.u32 v9, $0xE;
	v36 =	vshrl.u32 v6, $0xE;
	v6 =	vshrl.u32 v8, $0xE;
	v9 =	vld [tilespmem:s28+$0xFFFFFFB0]  }
0x94: {  	v5 =	vadd.s32 $0x8000, v4;
	v61 =	vand.u32 $0x7F, v1;
	v27 =	vand.u32 $0x7F, v2;
	v17 =	vld.idx.msk [tilespmem:v7+s3+$0x0], $0xffff  }
0x95: {  	v28 =	vadd.s32 $0x8000, v2;
	v30 =	vand.u32 $0x7F, v36;
	v35 =	vadd.s32 $0x8000, v63;
	v19 =	vld.idx.msk [tilespmem:v11+s3+$0x0], $0xffff  }
0x96: {  	v8 =	vadd.s32 $0x8000, v6;
	v5 =	vand.u32 $0x7FF80, v5;
	v32 =	vand.u32 $0x7FF80, v35;
	v21 =	vld.idx.msk [tilespmem:v13+s3+$0x0], $0xffff  }
0x97: {  	v7 =	vadd.s32 $0x8000, v1;
	v25 =	vld.idx.msk [tilespmem:v16+s3+$0x0], $0xffff;
	v16 =	vadd.s32 $0x8000, v36;
	v11 =	vand.u32 $0x7F, v3  }
0x98: {  	v13 =	vld.idx.msk [tilespmem:v18+s3+$0x0], $0xffff;
	v18 =	vand.u32 $0x7FF80, v8;
	v8 =	vshrl.u32 v12, $0xE;
	v62 =	vand.u32 $0x7FF80, v7  }
0x99: {  	v7 =	vld.idx.msk [tilespmem:v14+s3+$0x0], $0xffff;
	v14 =	vand.u32 $0x7F, v6;
	v12 =	vand.u32 $0x7FF80, v16;
	v39 =	vadd.s32 $0x8000, v8  }
0x9a: {  	v37 =	vld.idx.msk [tilespmem:v20+s3+$0x0], $0xffff;
	v14 =	vor.u32 v14, v18;
	v33 =	vor.u32 v30, v12;
	v12 =	vand.u32 $0x7FF80, v28  }
0x9b: {  	v29 =	vld.idx.msk [tilespmem:v29+s3+$0x0], $0xffff;
	v28 =	vand.u32 $0x7F, v63;
	v34 =	vand.u32 $0x7FF80, v39;
	v12 =	vor.u32 v27, v12  }
0x9c: {  	v16 =	vld [tilespmem:s28+$0xFFFFFFE0];
	v26 =	vunpack.i.u.bf16.f32 v17;
	v22 =	vunpack.i.u.bf16.f32 v19;
	v20 =	vunpack.i.l.bf16.f32 v19  }
0x9d: {  	v30 =	vld [tilespmem:s28+$0x0];
	v19 =	vunpack.i.u.bf16.f32 v21;
	v24 =	vunpack.i.l.bf16.f32 v21;
	v21 =	vunpack.i.l.bf16.f32 v25  }
0x9e: {  	v17 =	vunpack.i.l.bf16.f32 v17;
	v31 =	vmul.f32 v26, v15;
	v21 =	vmul.f32 v21, v10;
	v26 =	vld [tilespmem:s28+$0xFFFFFFF0]  }
0x9f: {  	v27 =	vld [tilespmem:s28+$0xFFFFFFC0];
	v18 =	vunpack.i.u.bf16.f32 v25;
	v41 =	vmul.f32 v17, v15;
	v15 =	vunpack.i.u.bf16.f32 v37  }
0xa0: {  	v25 =	vunpack.i.l.bf16.f32 v13;
	v40 =	vunpack.i.l.bf16.f32 v37;
	v17 =	vmul.f32 v15, v38;
	[tilespmem:v63+s19+$0x0] =	vst.idx.add.f32.msk $0xffff, v21  }
0xa1: {  	s29 =	simm.s32 $0x0;
	v23 =	vunpack.i.l.bf16.f32 v7;
	v15 =	vor.u32 v61, v62;
	v21 =	vmul.f32 v40, v38;
	[tilespmem:v36+s19+$0x0] =	vst.idx.add.f32.msk $0xffff, v41  }
.LBB2_7:
0xa2: {  	s29 =	sadd.s32 $0x8, s29;
	[tilespmem:v33+s19+$0x0] =	vst.idx.add.f32.msk $0xffff, v31;
	v31 =	vand.u32 $0x7F, v8;
	v13 =	vunpack.i.u.bf16.f32 v13;
	v22 =	vmul.f32 v22, v30;
	s28 =	sadd.s32 $0x100, s28  }
0xa3: {  	v7 =	vunpack.i.u.bf16.f32 v7;
	v24 =	vmul.f32 v24, v26;
	v33 =	vld [tilespmem:s28+$0xFFFFFF20];
	p1 =	slt.u32 s29, $0xF8;
	v31 =	vor.u32 v31, v34  }
0xa4: {  	v35 =	vadd.s32 $0x8000, v3;
	v20 =	vmul.f32 v20, v30;
	v34 =	vld [tilespmem:s28+$0xFFFFFF30];
	v25 =	vmul.f32 v25, v27  }
0xa5: {  	v23 =	vmul.f32 v23, v16;
	v19 =	vmul.f32 v19, v26;
	v35 =	vand.u32 $0x7FF80, v35;
	v30 =	vld [tilespmem:s28+$0xFFFFFF40]  }
0xa6: {  	v13 =	vmul.f32 v13, v27;
	v11 =	vor.u32 v11, v35;
	v36 =	vunpack.i.l.bf16.f32 v29;
	v26 =	vld [tilespmem:s28+$0xFFFFFF50]  }
0xa7: {  	v10 =	vmul.f32 v18, v10;
	v18 =	vor.u32 v28, v32;
	v29 =	vunpack.i.u.bf16.f32 v29;
	v27 =	vld [tilespmem:s28+$0xFFFFFF60]  }
0xa8: {  	v7 =	vmul.f32 v7, v16;
	v32 =	vmul.f32 v36, v9;
	v28 =	vld [tilespmem:s28+$0xFFFFFF10]  }
0xa9: {  	v9 =	vmul.f32 v29, v9;
	v29 =	vand.u32 $0x7F, v4;
	v16 =	vld [tilespmem:s28+$0xFFFFFF70]  }
0xaa: {  	v5 =	vor.u32 v29, v5;
	v35 =	vld [tilespmem:s28+$0xFFFFFF80]  }
0xab: {  	[tilespmem:v4+s19+$0x0] =	vst.idx.add.f32.msk $0xffff, v24  }
0xac: {  	[tilespmem:v6+s19+$0x0] =	vst.idx.add.f32.msk $0xffff, v20  }
0xad: {  	[tilespmem:v3+s19+$0x0] =	vst.idx.add.f32.msk $0xffff, v23  }
0xae: {  	[tilespmem:v14+s19+$0x0] =	vst.idx.add.f32.msk $0xffff, v22  }
0xaf: {  	[tilespmem:v5+s19+$0x0] =	vst.idx.add.f32.msk $0xffff, v19  }
0xb0: {  	[tilespmem:v2+s19+$0x0] =	vst.idx.add.f32.msk $0xffff, v32  }
0xb1: {  	[tilespmem:v8+s19+$0x0] =	vst.idx.add.f32.msk $0xffff, v21  }
0xb2: {  	[tilespmem:v1+s19+$0x0] =	vst.idx.add.f32.msk $0xffff, v25  }
0xb3: {  	[tilespmem:v18+s19+$0x0] =	vst.idx.add.f32.msk $0xffff, v10  }
0xb4: {  	v1 =	vand.u32 $0x3FFF, v28;
	[tilespmem:v11+s19+$0x0] =	vst.idx.add.f32.msk $0xffff, v7  }
0xb5: {  	v6 =	vand.u32 $0x3FFF, v35;
	[tilespmem:v31+s19+$0x0] =	vst.idx.add.f32.msk $0xffff, v17  }
0xb6: {  	v7 =	vand.u32 $0x3FFF, v16;
	[tilespmem:v12+s19+$0x0] =	vst.idx.add.f32.msk $0xffff, v9  }
0xb7: {  	v8 =	vand.u32 $0x3FFF, v27;
	[tilespmem:v15+s19+$0x0] =	vst.idx.add.f32.msk $0xffff, v13  }
0xb8: {  	v3 =	vshrl.u32 v27, $0xE;
	v4 =	vshrl.u32 v16, $0xE;
	v9 =	vand.u32 $0x3FFF, v26;
	v15 =	vld [tilespmem:s28+$0xFFFFFF90]  }
0xb9: {  	v5 =	vadd.s32 $0x8000, v4;
	v11 =	vand.u32 $0x3FFF, v30;
	v10 =	vld.idx.msk [tilespmem:v1+s3+$0x0], $0xffff;
	v1 =	vshrl.u32 v30, $0xE  }
0xba: {  	v2 =	vshrl.u32 v34, $0xE;
	v5 =	vand.u32 $0x7FF80, v5;
	v32 =	vand.u32 $0x7F, v1;
	v12 =	vld.idx.msk [tilespmem:v6+s3+$0x0], $0xffff  }
0xbb: {  	v14 =	vand.u32 $0x3FFF, v33;
	v17 =	vand.u32 $0x7F, v2;
	v6 =	vadd.s32 $0x8000, v1;
	v16 =	vld.idx.msk [tilespmem:v7+s3+$0x0], $0xffff  }
0xbc: {  	v37 =	vshrl.u32 v26, $0xE;
	v21 =	vadd.s32 $0x8000, v2;
	v36 =	vand.u32 $0x7FF80, v6;
	v7 =	vld.idx.msk [tilespmem:v8+s3+$0x0], $0xffff  }
0xbd: {  	v29 =	vand.u32 $0x3FFF, v34;
	v38 =	vshrl.u32 v28, $0xE;
	v6 =	vshrl.u32 v35, $0xE;
	v25 =	vld.idx.msk [tilespmem:v9+s3+$0x0], $0xffff  }
0xbe: {  	v27 =	vand.u32 $0x7F, v38;
	v18 =	vadd.s32 $0x8000, v38;
	v13 =	vld.idx.msk [tilespmem:v11+s3+$0x0], $0xffff;
	v11 =	vand.u32 $0x7F, v3  }
0xbf: {  	v28 =	vand.u32 $0x7F, v6;
	v26 =	vunpack.i.u.bf16.f32 v10;
	v34 =	vunpack.i.l.bf16.f32 v10;
	v10 =	vld [tilespmem:s28+$0xFFFFFFD0]  }
0xc0: {  	v8 =	vadd.s32 $0x8000, v6;
	v22 =	vunpack.i.u.bf16.f32 v12;
	v20 =	vunpack.i.l.bf16.f32 v12;
	v35 =	vld.idx.msk [tilespmem:v14+s3+$0x0], $0xffff  }
0xc1: {  	v12 =	vand.u32 $0x7FF80, v8;
	v19 =	vunpack.i.u.bf16.f32 v16;
	v24 =	vunpack.i.l.bf16.f32 v16;
	v9 =	vld [tilespmem:s28+$0xFFFFFFB0]  }
0xc2: {  	v8 =	vshrl.u32 v33, $0xE;
	v14 =	vor.u32 v28, v12;
	v23 =	vunpack.i.l.bf16.f32 v7;
	v39 =	vld [tilespmem:s28+$0xFFFFFFA0]  }
0xc3: {  	v12 =	vand.u32 $0x7FF80, v18;
	v18 =	vunpack.i.u.bf16.f32 v25;
	v28 =	vunpack.i.l.bf16.f32 v25;
	v16 =	vld [tilespmem:s28+$0xFFFFFFE0]  }
0xc4: {  	v31 =	vmul.f32 v26, v15;
	v25 =	vunpack.i.l.bf16.f32 v13;
	v40 =	vmul.f32 v28, v10;
	v26 =	vld [tilespmem:s28+$0xFFFFFFF0]  }
.Ltmp2:
0xc5: {  	v41 =	vadd.s32 $0x8000, v8;
	v33 =	vor.u32 v27, v12;
	v12 =	vand.u32 $0x7FF80, v21;
	v30 =	vld [tilespmem:s28+$0x0];
	(pc) =	sbr.rel @p1 .LBB2_7-.Ltmp2, $4  }
0xc6: {  	v12 =	vor.u32 v17, v12;
	v28 =	vand.u32 $0x7F, v37;
	v21 =	vunpack.i.l.bf16.f32 v35;
	[tilespmem:v37+s19+$0x0] =	vst.idx.add.f32.msk $0xffff, v40  }
0xc7: {  	v34 =	vmul.f32 v34, v15;
	v15 =	vunpack.i.u.bf16.f32 v35;
	v21 =	vmul.f32 v21, v39;
	v27 =	vld [tilespmem:s28+$0xFFFFFFC0]  }
0xc8: {  	v17 =	vmul.f32 v15, v39;
	v15 =	vor.u32 v32, v36;
	v32 =	vadd.s32 $0x8000, v37;
	v29 =	vld.idx.msk [tilespmem:v29+s3+$0x0], $0xffff  }
0xc9: {  	v32 =	vand.u32 $0x7FF80, v32;
	[tilespmem:v38+s19+$0x0] =	vst.idx.add.f32.msk $0xffff, v34;
	v34 =	vand.u32 $0x7FF80, v41  }
0xca: {  	_ =	sdelay $0x3  }
0xcb: {  	v24 =	vmul.f32 v24, v26;
	v35 =	vand.u32 $0x7F, v4;
	[tilespmem:v33+s19+$0x0] =	vst.idx.add.f32.msk $0xffff, v31  }
0xcc: {  	v20 =	vmul.f32 v20, v30;
	[tilespmem:v8+s19+$0x0] =	vst.idx.add.f32.msk $0xffff, v21;
	v5 =	vor.u32 v35, v5  }
0xcd: {  	v23 =	vmul.f32 v23, v16;
	[tilespmem:v4+s19+$0x0] =	vst.idx.add.f32.msk $0xffff, v24  }
0xce: {  	v19 =	vmul.f32 v19, v26;
	v4 =	vmul.f32 v22, v30;
	[tilespmem:v6+s19+$0x0] =	vst.idx.add.f32.msk $0xffff, v20;
	v6 =	vadd.s32 $0x8000, v3  }
0xcf: {  	[tilespmem:v3+s19+$0x0] =	vst.idx.add.f32.msk $0xffff, v23;
	v20 =	vunpack.i.l.bf16.f32 v29;
	v3 =	vand.u32 $0x7FF80, v6;
	v6 =	vor.u32 v28, v32  }
0xd0: {  	v20 =	vmul.f32 v20, v9;
	[tilespmem:v14+s19+$0x0] =	vst.idx.add.f32.msk $0xffff, v4;
	v4 =	vand.u32 $0x7F, v8;
	v3 =	vor.u32 v11, v3  }
0xd1: {  	v4 =	vor.u32 v4, v34;
	[tilespmem:v5+s19+$0x0] =	vst.idx.add.f32.msk $0xffff, v19;
	v5 =	vmul.f32 v25, v27  }
0xd2: {  	[tilespmem:v2+s19+$0x0] =	vst.idx.add.f32.msk $0xffff, v20;
	v2 =	vunpack.i.u.bf16.f32 v7;
	v7 =	vmul.f32 v18, v10  }
0xd3: {  	v2 =	vmul.f32 v2, v16;
	[tilespmem:v1+s19+$0x0] =	vst.idx.add.f32.msk $0xffff, v5  }
0xd4: {  	v1 =	vunpack.i.u.bf16.f32 v29;
	[tilespmem:v6+s19+$0x0] =	vst.idx.add.f32.msk $0xffff, v7  }
0xd5: {  	v5 =	vunpack.i.u.bf16.f32 v13;
	v1 =	vmul.f32 v1, v9;
	[tilespmem:v3+s19+$0x0] =	vst.idx.add.f32.msk $0xffff, v2  }
0xd6: {  	v2 =	vmul.f32 v5, v27;
	[tilespmem:v4+s19+$0x0] =	vst.idx.add.f32.msk $0xffff, v17  }
0xd7: {  	[tilespmem:v12+s19+$0x0] =	vst.idx.add.f32.msk $0xffff, v1  }
0xd8: {  	s28 =	sadd.s32 @!p0 s26, s9;
	s29 =	simm.s32 @!p0 $0x0;
	s30 =	simm.s32 @!p0 $0x16000;
	[tilespmem:v15+s19+$0x0] =	vst.idx.add.f32.msk $0xffff, v2  }
0xd9: {  	[tilespmem:s30], [sflag:$0x2] =	stream.linear.gather @!p0 [hbm4b:s28+s29], $0x2000, $0x38;
	[tilespmem:$0x1C000] =	vst v63  }
0xda: {  	_ =	swait.ge [sflag:s21], $0x2000  }
0xdb: {  	[sflag:s21] =	ssyncset.done $0x0  }
0xdc: {  	s28 =	simm.s32 $0x18000;
	[sflag:s21] =	ssyncadd.s32 $0xFFFFE000  }
0xdd: {  	v6 =	vld [tilespmem:s28+$0x0]  }
0xde: {  	v8 =	vld [tilespmem:s28+$0x70]  }
0xdf: {  	v1 =	vld [tilespmem:s28+$0x60]  }
0xe0: {  	v2 =	vld [tilespmem:s28+$0x50]  }
0xe1: {  	v9 =	vld [tilespmem:s28+$0x40]  }
0xe2: {  	v5 =	vld [tilespmem:s28+$0x30]  }
0xe3: {  	v10 =	vld [tilespmem:s28+$0x20]  }
0xe4: {  	v12 =	vld [tilespmem:s28+$0x10];
	_ =	sdelay $0x1  }
0xe5: {  	v7 =	vand.u32 $0x3FFF, v6;
	v11 =	vand.u32 $0x3FFF, v8;
	v13 =	vand.u32 $0x3FFF, v1  }
0xe6: {  	v15 =	vld [tilespmem:s28+$0x80];
	v14 =	vand.u32 $0x3FFF, v2;
	v16 =	vand.u32 $0x3FFF, v9;
	v3 =	vshrl.u32 v2, $0xE  }
0xe7: {  	v38 =	vld [tilespmem:s28+$0x90];
	v4 =	vshrl.u32 v1, $0xE;
	v1 =	vshrl.u32 v5, $0xE;
	v18 =	vand.u32 $0x3FFF, v5  }
0xe8: {  	v2 =	vshrl.u32 v10, $0xE;
	v20 =	vand.u32 $0x3FFF, v12;
	v29 =	vand.u32 $0x3FFF, v10;
	v10 =	vld [tilespmem:s28+$0xC0]  }
0xe9: {  	v63 =	vshrl.u32 v9, $0xE;
	v36 =	vshrl.u32 v6, $0xE;
	v6 =	vshrl.u32 v8, $0xE;
	v9 =	vld [tilespmem:s28+$0xA0]  }
0xea: {  	v5 =	vadd.s32 $0x8000, v4;
	v61 =	vand.u32 $0x7F, v1;
	v27 =	vand.u32 $0x7F, v2;
	v17 =	vld.idx.msk [tilespmem:v7+s3+$0x0], $0xffff  }
0xeb: {  	v28 =	vadd.s32 $0x8000, v2;
	v30 =	vand.u32 $0x7F, v36;
	v35 =	vadd.s32 $0x8000, v63;
	v19 =	vld.idx.msk [tilespmem:v11+s3+$0x0], $0xffff  }
0xec: {  	v8 =	vadd.s32 $0x8000, v6;
	v5 =	vand.u32 $0x7FF80, v5;
	v32 =	vand.u32 $0x7FF80, v35;
	v21 =	vld.idx.msk [tilespmem:v13+s3+$0x0], $0xffff  }
0xed: {  	v7 =	vadd.s32 $0x8000, v1;
	v25 =	vld.idx.msk [tilespmem:v16+s3+$0x0], $0xffff;
	v16 =	vadd.s32 $0x8000, v36;
	v11 =	vand.u32 $0x7F, v3  }
0xee: {  	v13 =	vld.idx.msk [tilespmem:v18+s3+$0x0], $0xffff;
	v18 =	vand.u32 $0x7FF80, v8;
	v8 =	vshrl.u32 v12, $0xE;
	v62 =	vand.u32 $0x7FF80, v7  }
0xef: {  	v7 =	vld.idx.msk [tilespmem:v14+s3+$0x0], $0xffff;
	v14 =	vand.u32 $0x7F, v6;
	v12 =	vand.u32 $0x7FF80, v16;
	v39 =	vadd.s32 $0x8000, v8  }
0xf0: {  	v37 =	vld.idx.msk [tilespmem:v20+s3+$0x0], $0xffff;
	v14 =	vor.u32 v14, v18;
	v33 =	vor.u32 v30, v12;
	v12 =	vand.u32 $0x7FF80, v28  }
0xf1: {  	v29 =	vld.idx.msk [tilespmem:v29+s3+$0x0], $0xffff;
	v28 =	vand.u32 $0x7F, v63;
	v34 =	vand.u32 $0x7FF80, v39;
	v12 =	vor.u32 v27, v12  }
0xf2: {  	v16 =	vld [tilespmem:s28+$0xD0];
	v26 =	vunpack.i.u.bf16.f32 v17;
	v22 =	vunpack.i.u.bf16.f32 v19;
	v20 =	vunpack.i.l.bf16.f32 v19  }
0xf3: {  	v30 =	vld [tilespmem:s28+$0xF0];
	v19 =	vunpack.i.u.bf16.f32 v21;
	v24 =	vunpack.i.l.bf16.f32 v21;
	v21 =	vunpack.i.l.bf16.f32 v25  }
0xf4: {  	v17 =	vunpack.i.l.bf16.f32 v17;
	v31 =	vmul.f32 v26, v15;
	v21 =	vmul.f32 v21, v10;
	v26 =	vld [tilespmem:s28+$0xE0]  }
0xf5: {  	v27 =	vld [tilespmem:s28+$0xB0];
	v18 =	vunpack.i.u.bf16.f32 v25;
	v41 =	vmul.f32 v17, v15;
	v15 =	vunpack.i.u.bf16.f32 v37  }
0xf6: {  	v25 =	vunpack.i.l.bf16.f32 v13;
	v40 =	vunpack.i.l.bf16.f32 v37;
	v17 =	vmul.f32 v15, v38;
	[tilespmem:v63+s19+$0x0] =	vst.idx.add.f32.msk $0xffff, v21  }
0xf7: {  	s29 =	simm.s32 $0x0;
	v23 =	vunpack.i.l.bf16.f32 v7;
	v15 =	vor.u32 v61, v62;
	v21 =	vmul.f32 v40, v38;
	[tilespmem:v36+s19+$0x0] =	vst.idx.add.f32.msk $0xffff, v41  }
.LBB2_9:
0xf8: {  	s29 =	sadd.s32 $0x8, s29;
	[tilespmem:v33+s19+$0x0] =	vst.idx.add.f32.msk $0xffff, v31;
	v31 =	vand.u32 $0x7F, v8;
	v13 =	vunpack.i.u.bf16.f32 v13;
	v22 =	vmul.f32 v22, v30;
	s28 =	sadd.s32 $0x100, s28  }
0xf9: {  	v7 =	vunpack.i.u.bf16.f32 v7;
	v24 =	vmul.f32 v24, v26;
	v33 =	vld [tilespmem:s28+$0x10];
	p1 =	slt.u32 s29, $0xF8;
	v31 =	vor.u32 v31, v34  }
0xfa: {  	v35 =	vadd.s32 $0x8000, v3;
	v20 =	vmul.f32 v20, v30;
	v34 =	vld [tilespmem:s28+$0x20];
	v25 =	vmul.f32 v25, v27  }
0xfb: {  	v23 =	vmul.f32 v23, v16;
	v19 =	vmul.f32 v19, v26;
	v35 =	vand.u32 $0x7FF80, v35;
	v30 =	vld [tilespmem:s28+$0x30]  }
0xfc: {  	v13 =	vmul.f32 v13, v27;
	v11 =	vor.u32 v11, v35;
	v36 =	vunpack.i.l.bf16.f32 v29;
	v26 =	vld [tilespmem:s28+$0x40]  }
0xfd: {  	v10 =	vmul.f32 v18, v10;
	v18 =	vor.u32 v28, v32;
	v29 =	vunpack.i.u.bf16.f32 v29;
	v27 =	vld [tilespmem:s28+$0x50]  }
0xfe: {  	v7 =	vmul.f32 v7, v16;
	v32 =	vmul.f32 v36, v9;
	v28 =	vld [tilespmem:s28+$0x0]  }
0xff: {  	v9 =	vmul.f32 v29, v9;
	v29 =	vand.u32 $0x7F, v4;
	v16 =	vld [tilespmem:s28+$0x60]  }
0x100: {  	v5 =	vor.u32 v29, v5;
	v35 =	vld [tilespmem:s28+$0x70]  }
0x101: {  	[tilespmem:v4+s19+$0x0] =	vst.idx.add.f32.msk $0xffff, v24  }
0x102: {  	[tilespmem:v6+s19+$0x0] =	vst.idx.add.f32.msk $0xffff, v20  }
0x103: {  	[tilespmem:v3+s19+$0x0] =	vst.idx.add.f32.msk $0xffff, v23  }
0x104: {  	[tilespmem:v14+s19+$0x0] =	vst.idx.add.f32.msk $0xffff, v22  }
0x105: {  	[tilespmem:v5+s19+$0x0] =	vst.idx.add.f32.msk $0xffff, v19  }
0x106: {  	[tilespmem:v2+s19+$0x0] =	vst.idx.add.f32.msk $0xffff, v32  }
0x107: {  	[tilespmem:v8+s19+$0x0] =	vst.idx.add.f32.msk $0xffff, v21  }
0x108: {  	[tilespmem:v1+s19+$0x0] =	vst.idx.add.f32.msk $0xffff, v25  }
0x109: {  	[tilespmem:v18+s19+$0x0] =	vst.idx.add.f32.msk $0xffff, v10  }
0x10a: {  	v1 =	vand.u32 $0x3FFF, v28;
	[tilespmem:v11+s19+$0x0] =	vst.idx.add.f32.msk $0xffff, v7  }
0x10b: {  	v6 =	vand.u32 $0x3FFF, v35;
	[tilespmem:v31+s19+$0x0] =	vst.idx.add.f32.msk $0xffff, v17  }
0x10c: {  	v7 =	vand.u32 $0x3FFF, v16;
	[tilespmem:v12+s19+$0x0] =	vst.idx.add.f32.msk $0xffff, v9  }
0x10d: {  	v8 =	vand.u32 $0x3FFF, v27;
	[tilespmem:v15+s19+$0x0] =	vst.idx.add.f32.msk $0xffff, v13  }
0x10e: {  	v3 =	vshrl.u32 v27, $0xE;
	v4 =	vshrl.u32 v16, $0xE;
	v9 =	vand.u32 $0x3FFF, v26;
	v15 =	vld [tilespmem:s28+$0x80]  }
0x10f: {  	v5 =	vadd.s32 $0x8000, v4;
	v11 =	vand.u32 $0x3FFF, v30;
	v10 =	vld.idx.msk [tilespmem:v1+s3+$0x0], $0xffff;
	v1 =	vshrl.u32 v30, $0xE  }
0x110: {  	v2 =	vshrl.u32 v34, $0xE;
	v5 =	vand.u32 $0x7FF80, v5;
	v32 =	vand.u32 $0x7F, v1;
	v12 =	vld.idx.msk [tilespmem:v6+s3+$0x0], $0xffff  }
0x111: {  	v14 =	vand.u32 $0x3FFF, v33;
	v17 =	vand.u32 $0x7F, v2;
	v6 =	vadd.s32 $0x8000, v1;
	v16 =	vld.idx.msk [tilespmem:v7+s3+$0x0], $0xffff  }
0x112: {  	v37 =	vshrl.u32 v26, $0xE;
	v21 =	vadd.s32 $0x8000, v2;
	v36 =	vand.u32 $0x7FF80, v6;
	v7 =	vld.idx.msk [tilespmem:v8+s3+$0x0], $0xffff  }
0x113: {  	v29 =	vand.u32 $0x3FFF, v34;
	v38 =	vshrl.u32 v28, $0xE;
	v6 =	vshrl.u32 v35, $0xE;
	v25 =	vld.idx.msk [tilespmem:v9+s3+$0x0], $0xffff  }
0x114: {  	v27 =	vand.u32 $0x7F, v38;
	v18 =	vadd.s32 $0x8000, v38;
	v13 =	vld.idx.msk [tilespmem:v11+s3+$0x0], $0xffff;
	v11 =	vand.u32 $0x7F, v3  }
0x115: {  	v28 =	vand.u32 $0x7F, v6;
	v26 =	vunpack.i.u.bf16.f32 v10;
	v34 =	vunpack.i.l.bf16.f32 v10;
	v10 =	vld [tilespmem:s28+$0xC0]  }
0x116: {  	v8 =	vadd.s32 $0x8000, v6;
	v22 =	vunpack.i.u.bf16.f32 v12;
	v20 =	vunpack.i.l.bf16.f32 v12;
	v35 =	vld.idx.msk [tilespmem:v14+s3+$0x0], $0xffff  }
0x117: {  	v12 =	vand.u32 $0x7FF80, v8;
	v19 =	vunpack.i.u.bf16.f32 v16;
	v24 =	vunpack.i.l.bf16.f32 v16;
	v9 =	vld [tilespmem:s28+$0xA0]  }
0x118: {  	v8 =	vshrl.u32 v33, $0xE;
	v14 =	vor.u32 v28, v12;
	v23 =	vunpack.i.l.bf16.f32 v7;
	v39 =	vld [tilespmem:s28+$0x90]  }
0x119: {  	v12 =	vand.u32 $0x7FF80, v18;
	v18 =	vunpack.i.u.bf16.f32 v25;
	v28 =	vunpack.i.l.bf16.f32 v25;
	v16 =	vld [tilespmem:s28+$0xD0]  }
0x11a: {  	v31 =	vmul.f32 v26, v15;
	v25 =	vunpack.i.l.bf16.f32 v13;
	v40 =	vmul.f32 v28, v10;
	v26 =	vld [tilespmem:s28+$0xE0]  }
.Ltmp3:
0x11b: {  	v41 =	vadd.s32 $0x8000, v8;
	v33 =	vor.u32 v27, v12;
	v12 =	vand.u32 $0x7FF80, v21;
	v30 =	vld [tilespmem:s28+$0xF0];
	(pc) =	sbr.rel @p1 .LBB2_9-.Ltmp3, $4  }
0x11c: {  	v12 =	vor.u32 v17, v12;
	v28 =	vand.u32 $0x7F, v37;
	v21 =	vunpack.i.l.bf16.f32 v35;
	[tilespmem:v37+s19+$0x0] =	vst.idx.add.f32.msk $0xffff, v40  }
0x11d: {  	v34 =	vmul.f32 v34, v15;
	v15 =	vunpack.i.u.bf16.f32 v35;
	v21 =	vmul.f32 v21, v39;
	v27 =	vld [tilespmem:s28+$0xB0]  }
0x11e: {  	v17 =	vmul.f32 v15, v39;
	v15 =	vor.u32 v32, v36;
	v32 =	vadd.s32 $0x8000, v37;
	v29 =	vld.idx.msk [tilespmem:v29+s3+$0x0], $0xffff  }
0x11f: {  	v32 =	vand.u32 $0x7FF80, v32;
	[tilespmem:v38+s19+$0x0] =	vst.idx.add.f32.msk $0xffff, v34;
	v34 =	vand.u32 $0x7FF80, v41  }
0x120: {  	_ =	sdelay $0x3  }
0x121: {  	v24 =	vmul.f32 v24, v26;
	v35 =	vand.u32 $0x7F, v4;
	[tilespmem:v33+s19+$0x0] =	vst.idx.add.f32.msk $0xffff, v31  }
0x122: {  	v20 =	vmul.f32 v20, v30;
	[tilespmem:v8+s19+$0x0] =	vst.idx.add.f32.msk $0xffff, v21;
	v5 =	vor.u32 v35, v5  }
0x123: {  	v23 =	vmul.f32 v23, v16;
	[tilespmem:v4+s19+$0x0] =	vst.idx.add.f32.msk $0xffff, v24  }
0x124: {  	v19 =	vmul.f32 v19, v26;
	v4 =	vmul.f32 v22, v30;
	[tilespmem:v6+s19+$0x0] =	vst.idx.add.f32.msk $0xffff, v20;
	v6 =	vadd.s32 $0x8000, v3  }
0x125: {  	[tilespmem:v3+s19+$0x0] =	vst.idx.add.f32.msk $0xffff, v23;
	v20 =	vunpack.i.l.bf16.f32 v29;
	v3 =	vand.u32 $0x7FF80, v6;
	v6 =	vor.u32 v28, v32  }
0x126: {  	v20 =	vmul.f32 v20, v9;
	[tilespmem:v14+s19+$0x0] =	vst.idx.add.f32.msk $0xffff, v4;
	v4 =	vand.u32 $0x7F, v8;
	v3 =	vor.u32 v11, v3  }
0x127: {  	v4 =	vor.u32 v4, v34;
	[tilespmem:v5+s19+$0x0] =	vst.idx.add.f32.msk $0xffff, v19;
	v5 =	vmul.f32 v25, v27  }
0x128: {  	[tilespmem:v2+s19+$0x0] =	vst.idx.add.f32.msk $0xffff, v20;
	v2 =	vunpack.i.u.bf16.f32 v7;
	v7 =	vmul.f32 v18, v10  }
0x129: {  	v2 =	vmul.f32 v2, v16;
	[tilespmem:v1+s19+$0x0] =	vst.idx.add.f32.msk $0xffff, v5  }
0x12a: {  	v1 =	vunpack.i.u.bf16.f32 v29;
	[tilespmem:v6+s19+$0x0] =	vst.idx.add.f32.msk $0xffff, v7  }
0x12b: {  	v5 =	vunpack.i.u.bf16.f32 v13;
	v1 =	vmul.f32 v1, v9;
	[tilespmem:v3+s19+$0x0] =	vst.idx.add.f32.msk $0xffff, v2  }
0x12c: {  	v2 =	vmul.f32 v5, v27;
	[tilespmem:v4+s19+$0x0] =	vst.idx.add.f32.msk $0xffff, v17  }
0x12d: {  	[tilespmem:v12+s19+$0x0] =	vst.idx.add.f32.msk $0xffff, v1  }
0x12e: {  	s26 =	sadd.s32 @!p0 s26, s10;
	s28 =	simm.s32 @!p0 $0x0;
	s29 =	simm.s32 @!p0 $0x18000;
	[tilespmem:v15+s19+$0x0] =	vst.idx.add.f32.msk $0xffff, v2  }
0x12f: {  	[tilespmem:s29], [sflag:$0x3] =	stream.linear.gather @!p0 [hbm4b:s26+s28], $0x2000, $0x38;
	[tilespmem:$0x1C000] =	vst v63  }
0x130: {  	_ =	swait.ge [sflag:s22], $0x2000  }
0x131: {  	[sflag:s22] =	ssyncset.done $0x0  }
0x132: {  	s26 =	simm.s32 $0x1A000;
	[sflag:s22] =	ssyncadd.s32 $0xFFFFE000  }
0x133: {  	v6 =	vld [tilespmem:s26+$0x0]  }
0x134: {  	v8 =	vld [tilespmem:s26+$0x70]  }
0x135: {  	v1 =	vld [tilespmem:s26+$0x60]  }
0x136: {  	v2 =	vld [tilespmem:s26+$0x50]  }
0x137: {  	v9 =	vld [tilespmem:s26+$0x40]  }
0x138: {  	v5 =	vld [tilespmem:s26+$0x30]  }
0x139: {  	v10 =	vld [tilespmem:s26+$0x20]  }
0x13a: {  	v12 =	vld [tilespmem:s26+$0x10];
	_ =	sdelay $0x1  }
0x13b: {  	v7 =	vand.u32 $0x3FFF, v6;
	v11 =	vand.u32 $0x3FFF, v8;
	v13 =	vand.u32 $0x3FFF, v1  }
0x13c: {  	v15 =	vld [tilespmem:s26+$0x80];
	v14 =	vand.u32 $0x3FFF, v2;
	v16 =	vand.u32 $0x3FFF, v9;
	v3 =	vshrl.u32 v2, $0xE  }
0x13d: {  	v38 =	vld [tilespmem:s26+$0x90];
	v4 =	vshrl.u32 v1, $0xE;
	v1 =	vshrl.u32 v5, $0xE;
	v18 =	vand.u32 $0x3FFF, v5  }
0x13e: {  	v2 =	vshrl.u32 v10, $0xE;
	v20 =	vand.u32 $0x3FFF, v12;
	v29 =	vand.u32 $0x3FFF, v10;
	v10 =	vld [tilespmem:s26+$0xC0]  }
0x13f: {  	v63 =	vshrl.u32 v9, $0xE;
	v36 =	vshrl.u32 v6, $0xE;
	v6 =	vshrl.u32 v8, $0xE;
	v9 =	vld [tilespmem:s26+$0xA0]  }
0x140: {  	v5 =	vadd.s32 $0x8000, v4;
	v61 =	vand.u32 $0x7F, v1;
	v27 =	vand.u32 $0x7F, v2;
	v17 =	vld.idx.msk [tilespmem:v7+s3+$0x0], $0xffff  }
0x141: {  	v28 =	vadd.s32 $0x8000, v2;
	v30 =	vand.u32 $0x7F, v36;
	v35 =	vadd.s32 $0x8000, v63;
	v19 =	vld.idx.msk [tilespmem:v11+s3+$0x0], $0xffff  }
0x142: {  	v8 =	vadd.s32 $0x8000, v6;
	v5 =	vand.u32 $0x7FF80, v5;
	v32 =	vand.u32 $0x7FF80, v35;
	v21 =	vld.idx.msk [tilespmem:v13+s3+$0x0], $0xffff  }
0x143: {  	v7 =	vadd.s32 $0x8000, v1;
	v25 =	vld.idx.msk [tilespmem:v16+s3+$0x0], $0xffff;
	v16 =	vadd.s32 $0x8000, v36;
	v11 =	vand.u32 $0x7F, v3  }
0x144: {  	v13 =	vld.idx.msk [tilespmem:v18+s3+$0x0], $0xffff;
	v18 =	vand.u32 $0x7FF80, v8;
	v8 =	vshrl.u32 v12, $0xE;
	v62 =	vand.u32 $0x7FF80, v7  }
0x145: {  	v7 =	vld.idx.msk [tilespmem:v14+s3+$0x0], $0xffff;
	v14 =	vand.u32 $0x7F, v6;
	v12 =	vand.u32 $0x7FF80, v16;
	v39 =	vadd.s32 $0x8000, v8  }
0x146: {  	v37 =	vld.idx.msk [tilespmem:v20+s3+$0x0], $0xffff;
	v14 =	vor.u32 v14, v18;
	v33 =	vor.u32 v30, v12;
	v12 =	vand.u32 $0x7FF80, v28  }
0x147: {  	v29 =	vld.idx.msk [tilespmem:v29+s3+$0x0], $0xffff;
	v28 =	vand.u32 $0x7F, v63;
	v34 =	vand.u32 $0x7FF80, v39;
	v12 =	vor.u32 v27, v12  }
0x148: {  	v16 =	vld [tilespmem:s26+$0xD0];
	v26 =	vunpack.i.u.bf16.f32 v17;
	v22 =	vunpack.i.u.bf16.f32 v19;
	v20 =	vunpack.i.l.bf16.f32 v19  }
0x149: {  	v30 =	vld [tilespmem:s26+$0xF0];
	v19 =	vunpack.i.u.bf16.f32 v21;
	v24 =	vunpack.i.l.bf16.f32 v21;
	v21 =	vunpack.i.l.bf16.f32 v25  }
0x14a: {  	v17 =	vunpack.i.l.bf16.f32 v17;
	v31 =	vmul.f32 v26, v15;
	v21 =	vmul.f32 v21, v10;
	v26 =	vld [tilespmem:s26+$0xE0]  }
0x14b: {  	v27 =	vld [tilespmem:s26+$0xB0];
	v18 =	vunpack.i.u.bf16.f32 v25;
	v41 =	vmul.f32 v17, v15;
	v15 =	vunpack.i.u.bf16.f32 v37  }
0x14c: {  	v25 =	vunpack.i.l.bf16.f32 v13;
	v40 =	vunpack.i.l.bf16.f32 v37;
	v17 =	vmul.f32 v15, v38;
	[tilespmem:v63+s19+$0x0] =	vst.idx.add.f32.msk $0xffff, v21  }
0x14d: {  	s28 =	simm.s32 $0x0;
	v23 =	vunpack.i.l.bf16.f32 v7;
	v15 =	vor.u32 v61, v62;
	v21 =	vmul.f32 v40, v38;
	[tilespmem:v36+s19+$0x0] =	vst.idx.add.f32.msk $0xffff, v41  }
.LBB2_11:
0x14e: {  	s28 =	sadd.s32 $0x8, s28;
	[tilespmem:v33+s19+$0x0] =	vst.idx.add.f32.msk $0xffff, v31;
	v31 =	vand.u32 $0x7F, v8;
	v13 =	vunpack.i.u.bf16.f32 v13;
	v22 =	vmul.f32 v22, v30;
	s26 =	sadd.s32 $0x100, s26  }
0x14f: {  	v7 =	vunpack.i.u.bf16.f32 v7;
	v24 =	vmul.f32 v24, v26;
	v33 =	vld [tilespmem:s26+$0x10];
	p0 =	slt.u32 s28, $0xF8;
	v31 =	vor.u32 v31, v34  }
0x150: {  	v35 =	vadd.s32 $0x8000, v3;
	v20 =	vmul.f32 v20, v30;
	v34 =	vld [tilespmem:s26+$0x20];
	v25 =	vmul.f32 v25, v27  }
0x151: {  	v23 =	vmul.f32 v23, v16;
	v19 =	vmul.f32 v19, v26;
	v35 =	vand.u32 $0x7FF80, v35;
	v30 =	vld [tilespmem:s26+$0x30]  }
0x152: {  	v13 =	vmul.f32 v13, v27;
	v11 =	vor.u32 v11, v35;
	v36 =	vunpack.i.l.bf16.f32 v29;
	v26 =	vld [tilespmem:s26+$0x40]  }
0x153: {  	v10 =	vmul.f32 v18, v10;
	v18 =	vor.u32 v28, v32;
	v29 =	vunpack.i.u.bf16.f32 v29;
	v27 =	vld [tilespmem:s26+$0x50]  }
0x154: {  	v7 =	vmul.f32 v7, v16;
	v32 =	vmul.f32 v36, v9;
	v28 =	vld [tilespmem:s26+$0x0]  }
0x155: {  	v9 =	vmul.f32 v29, v9;
	v29 =	vand.u32 $0x7F, v4;
	v16 =	vld [tilespmem:s26+$0x60]  }
0x156: {  	v5 =	vor.u32 v29, v5;
	v35 =	vld [tilespmem:s26+$0x70]  }
0x157: {  	[tilespmem:v4+s19+$0x0] =	vst.idx.add.f32.msk $0xffff, v24  }
0x158: {  	[tilespmem:v6+s19+$0x0] =	vst.idx.add.f32.msk $0xffff, v20  }
0x159: {  	[tilespmem:v3+s19+$0x0] =	vst.idx.add.f32.msk $0xffff, v23  }
0x15a: {  	[tilespmem:v14+s19+$0x0] =	vst.idx.add.f32.msk $0xffff, v22  }
0x15b: {  	[tilespmem:v5+s19+$0x0] =	vst.idx.add.f32.msk $0xffff, v19  }
0x15c: {  	[tilespmem:v2+s19+$0x0] =	vst.idx.add.f32.msk $0xffff, v32  }
0x15d: {  	[tilespmem:v8+s19+$0x0] =	vst.idx.add.f32.msk $0xffff, v21  }
0x15e: {  	[tilespmem:v1+s19+$0x0] =	vst.idx.add.f32.msk $0xffff, v25  }
0x15f: {  	[tilespmem:v18+s19+$0x0] =	vst.idx.add.f32.msk $0xffff, v10  }
0x160: {  	v1 =	vand.u32 $0x3FFF, v28;
	[tilespmem:v11+s19+$0x0] =	vst.idx.add.f32.msk $0xffff, v7  }
0x161: {  	v6 =	vand.u32 $0x3FFF, v35;
	[tilespmem:v31+s19+$0x0] =	vst.idx.add.f32.msk $0xffff, v17  }
0x162: {  	v7 =	vand.u32 $0x3FFF, v16;
	[tilespmem:v12+s19+$0x0] =	vst.idx.add.f32.msk $0xffff, v9  }
0x163: {  	v8 =	vand.u32 $0x3FFF, v27;
	[tilespmem:v15+s19+$0x0] =	vst.idx.add.f32.msk $0xffff, v13  }
0x164: {  	v3 =	vshrl.u32 v27, $0xE;
	v4 =	vshrl.u32 v16, $0xE;
	v9 =	vand.u32 $0x3FFF, v26;
	v15 =	vld [tilespmem:s26+$0x80]  }
0x165: {  	v5 =	vadd.s32 $0x8000, v4;
	v11 =	vand.u32 $0x3FFF, v30;
	v10 =	vld.idx.msk [tilespmem:v1+s3+$0x0], $0xffff;
	v1 =	vshrl.u32 v30, $0xE  }
0x166: {  	v2 =	vshrl.u32 v34, $0xE;
	v5 =	vand.u32 $0x7FF80, v5;
	v32 =	vand.u32 $0x7F, v1;
	v12 =	vld.idx.msk [tilespmem:v6+s3+$0x0], $0xffff  }
0x167: {  	v14 =	vand.u32 $0x3FFF, v33;
	v17 =	vand.u32 $0x7F, v2;
	v6 =	vadd.s32 $0x8000, v1;
	v16 =	vld.idx.msk [tilespmem:v7+s3+$0x0], $0xffff  }
0x168: {  	v37 =	vshrl.u32 v26, $0xE;
	v21 =	vadd.s32 $0x8000, v2;
	v36 =	vand.u32 $0x7FF80, v6;
	v7 =	vld.idx.msk [tilespmem:v8+s3+$0x0], $0xffff  }
0x169: {  	v29 =	vand.u32 $0x3FFF, v34;
	v38 =	vshrl.u32 v28, $0xE;
	v6 =	vshrl.u32 v35, $0xE;
	v25 =	vld.idx.msk [tilespmem:v9+s3+$0x0], $0xffff  }
0x16a: {  	v27 =	vand.u32 $0x7F, v38;
	v18 =	vadd.s32 $0x8000, v38;
	v13 =	vld.idx.msk [tilespmem:v11+s3+$0x0], $0xffff;
	v11 =	vand.u32 $0x7F, v3  }
0x16b: {  	v28 =	vand.u32 $0x7F, v6;
	v26 =	vunpack.i.u.bf16.f32 v10;
	v34 =	vunpack.i.l.bf16.f32 v10;
	v10 =	vld [tilespmem:s26+$0xC0]  }
0x16c: {  	v8 =	vadd.s32 $0x8000, v6;
	v22 =	vunpack.i.u.bf16.f32 v12;
	v20 =	vunpack.i.l.bf16.f32 v12;
	v35 =	vld.idx.msk [tilespmem:v14+s3+$0x0], $0xffff  }
0x16d: {  	v12 =	vand.u32 $0x7FF80, v8;
	v19 =	vunpack.i.u.bf16.f32 v16;
	v24 =	vunpack.i.l.bf16.f32 v16;
	v9 =	vld [tilespmem:s26+$0xA0]  }
0x16e: {  	v8 =	vshrl.u32 v33, $0xE;
	v14 =	vor.u32 v28, v12;
	v23 =	vunpack.i.l.bf16.f32 v7;
	v39 =	vld [tilespmem:s26+$0x90]  }
0x16f: {  	v12 =	vand.u32 $0x7FF80, v18;
	v18 =	vunpack.i.u.bf16.f32 v25;
	v28 =	vunpack.i.l.bf16.f32 v25;
	v16 =	vld [tilespmem:s26+$0xD0]  }
0x170: {  	v31 =	vmul.f32 v26, v15;
	v25 =	vunpack.i.l.bf16.f32 v13;
	v40 =	vmul.f32 v28, v10;
	v26 =	vld [tilespmem:s26+$0xE0]  }
.Ltmp4:
0x171: {  	v41 =	vadd.s32 $0x8000, v8;
	v33 =	vor.u32 v27, v12;
	v12 =	vand.u32 $0x7FF80, v21;
	v30 =	vld [tilespmem:s26+$0xF0];
	(pc) =	sbr.rel @p0 .LBB2_11-.Ltmp4, $4  }
0x172: {  	v12 =	vor.u32 v17, v12;
	v28 =	vand.u32 $0x7F, v37;
	v21 =	vunpack.i.l.bf16.f32 v35;
	[tilespmem:v37+s19+$0x0] =	vst.idx.add.f32.msk $0xffff, v40  }
0x173: {  	v34 =	vmul.f32 v34, v15;
	v15 =	vunpack.i.u.bf16.f32 v35;
	v21 =	vmul.f32 v21, v39;
	v27 =	vld [tilespmem:s26+$0xB0]  }
0x174: {  	v17 =	vmul.f32 v15, v39;
	v15 =	vor.u32 v32, v36;
	v32 =	vadd.s32 $0x8000, v37;
	v29 =	vld.idx.msk [tilespmem:v29+s3+$0x0], $0xffff  }
0x175: {  	v32 =	vand.u32 $0x7FF80, v32;
	[tilespmem:v38+s19+$0x0] =	vst.idx.add.f32.msk $0xffff, v34;
	v34 =	vand.u32 $0x7FF80, v41  }
0x176: {  	_ =	sdelay $0x3  }
0x177: {  	v24 =	vmul.f32 v24, v26;
	[tilespmem:v33+s19+$0x0] =	vst.idx.add.f32.msk $0xffff, v31  }
0x178: {  	v20 =	vmul.f32 v20, v30;
	[tilespmem:v8+s19+$0x0] =	vst.idx.add.f32.msk $0xffff, v21  }
0x179: {  	v35 =	vand.u32 $0x7F, v4;
	v23 =	vmul.f32 v23, v16;
	v59 =	vor.u32 v28, v32;
	[tilespmem:v4+s19+$0x0] =	vst.idx.add.f32.msk $0xffff, v24  }
0x17a: {  	v56 =	vmul.f32 v22, v30;
	v57 =	vadd.s32 $0x8000, v3;
	v62 =	vmul.f32 v18, v10;
	[tilespmem:v6+s19+$0x0] =	vst.idx.add.f32.msk $0xffff, v20  }
0x17b: {  	v60 =	vand.u32 $0x7F, v8;
	v5 =	vor.u32 v35, v5;
	[tilespmem:v3+s19+$0x0] =	vst.idx.add.f32.msk $0xffff, v23;
	v61 =	vmul.f32 v25, v27  }
0x17c: {  	v3 =	vand.u32 $0x7FF80, v57;
	v4 =	vor.u32 v60, v34;
	v58 =	vunpack.i.l.bf16.f32 v29;
	[tilespmem:v14+s19+$0x0] =	vst.idx.add.f32.msk $0xffff, v56  }
0x17d: {  	v3 =	vor.u32 v11, v3;
	v20 =	vmul.f32 v58, v9;
	[tilespmem:v1+s19+$0x0] =	vst.idx.add.f32.msk $0xffff, v61  }
0x17e: {  	v19 =	vmul.f32 v19, v26;
	s25 =	sadd.s32 $0x1, s25;
	[tilespmem:v59+s19+$0x0] =	vst.idx.add.f32.msk $0xffff, v62  }
0x17f: {  	p0 =	sne.s32 s25, $0x20;
	[tilespmem:v2+s19+$0x0] =	vst.idx.add.f32.msk $0xffff, v20;
	v2 =	vunpack.i.u.bf16.f32 v7  }
.Ltmp5:
0x180: {  	v1 =	vunpack.i.u.bf16.f32 v29;
	[tilespmem:v5+s19+$0x0] =	vst.idx.add.f32.msk $0xffff, v19;
	v2 =	vmul.f32 v2, v16;
	(pc) =	sbr.rel @p0 .LBB2_4-.Ltmp5, $4  }
0x181: {  	v63 =	vunpack.i.u.bf16.f32 v13;
	v1 =	vmul.f32 v1, v9;
	[tilespmem:v4+s19+$0x0] =	vst.idx.add.f32.msk $0xffff, v17  }
0x182: {  	[tilespmem:v3+s19+$0x0] =	vst.idx.add.f32.msk $0xffff, v2;
	v2 =	vmul.f32 v63, v27  }
0x183: {  	[tilespmem:v12+s19+$0x0] =	vst.idx.add.f32.msk $0xffff, v1  }
0x184: {  	[tilespmem:v15+s19+$0x0] =	vst.idx.add.f32.msk $0xffff, v2  }
0x185: {  	s24 =	sadd.s32 $0x1, s24  }
0x186: {  	p0 =	sne.s32 s24, s12  }
.Ltmp6:
0x187: {  	_ = 	snop;
	(pc) =	sbr.rel @p0 .LBB2_1-.Ltmp6, $4  }
0x188: {  	[hbm4b:s11+s3] =	stream.linear.scatter [tilespmem:s19], [sflag:$0x6], $0x10000, $0x38;
	[tilespmem:$0x1C000] =	vst v63  }
0x189: {  	_ =	swait.ge [sflag:s23], $0x10000  }
0x18a: {  	[sflag:s23] =	ssyncset.done $0x0  }
0x18b: {  	[sflag:s23] =	ssyncadd.s32 $0xFFFF0000  }
0x18c: {  	_ =	sfence.sel $0x180000  }
0x18d: {  	[bflag:$0x0] =	sbarrier.arrive $0xFFFF  }
0x18e: {  	p0 =	sne.s32 s1, $0x0;
	_ =	strace $0x90000047  }
0x18f: {  	s0 =	sadd.s32 @!p0 $0x100000, s0;
	[bflag:$0x2] =	sbarrier.arrive $0xFFFF  }
0x190: {  	[sflag:s0] =	ssyncadd.tile.s32 @!p0 $0x1;
	_ =	shalt  }
.Lfunc_end2:
_tile_overlayer_lowered:
.L_overlay_start_2:
0x191: {  	(tag) =	ssettag $0x2  }
0x192: {  	s0 =	rddreg [dreg:$0x0];
	s2 =	stileid.u32  }
0x193: {  	s1 =	rddreg [dreg:$0x1];
	p0 =	sne.s32 s2, $0x0  }
0x194: {  	s3 =	rddreg [dreg:$0x2];
	[bflag:$0x3] =	sbarrier.arrive $0xFFFF;
	s2 =	simm.s32 @!p0 $0x1C06  }
0x195: {  	[timem:s3], [sflag:s2] =	dma.local @!p0 [hbm:s0], s1  }
0x196: {  	s0 =	simm.s32 @!p0 $0x6  }
0x197: {  	_ =	swait.ge @!p0 [sflag:s0], s1  }
0x198: {  	s1 =	ssub.s32 @!p0 $0x0, s1;
	[sflag:s0] =	ssyncset.done @!p0 $0x0  }
0x199: {  	[sflag:s0] =	ssyncadd.s32 @!p0 s1  }
0x19a: {  	[bflag:$0x3] =	sbarrier.arrive $0xFFFF  }
0x19b: {  	_ =	shalt  }

</sc_bundles>
